<compile_context>
chip_gen: v7x
topology: tpu7x:2x2x1
jax: 0.10.2.dev20260603
libtpu: 0.0.44.dev20260713+nightly
codegen_flags: <defaults>
</compile_context>

<pallas_src>
import functools

import jax
import jax.numpy as jnp
from jax import lax
from jax.experimental import pallas as pl
from jax.experimental.pallas import tpu as pltpu
from jax.experimental.pallas import tpu_sc as plsc

N = 10000
E = 320000
D = 128

NC = 2
NS = 16
NW = NC * NS
E_PER_W = E // NW
CHUNK = 80
N_CHUNKS = E_PER_W // CHUNK
RCHUNK = 200
N_RCHUNKS = N // RCHUNK

BLK = 2000
GRID = N // BLK


def _msg_body(x_ref, w_ref, b_ref, o_ref):
    o_ref[...] = jnp.maximum(
        jnp.dot(x_ref[...], w_ref[...], preferred_element_type=jnp.float32)
        + b_ref[...], 0.0)


def _msg_matmul(x, w, b):
    return pl.pallas_call(
        _msg_body,
        grid=(GRID,),
        in_specs=[
            pl.BlockSpec((BLK, D), lambda i: (i, 0)),
            pl.BlockSpec((D, D), lambda i: (0, 0)),
            pl.BlockSpec((1, D), lambda i: (0, 0)),
        ],
        out_specs=pl.BlockSpec((BLK, D), lambda i: (i, 0)),
        out_shape=jax.ShapeDtypeStruct((N, D), jnp.float32),
    )(x, w, b.reshape(1, D))


NBUF = 4
N_BLOCKS = 5
CH_PER_BLK = N_CHUNKS // N_BLOCKS
RINGS_PER_BLK = CH_PER_BLK // NBUF
E_PER_BLK = CH_PER_BLK * CHUNK


def _sc_segment_sum(h, src, dst, zrows):
    mesh = plsc.VectorSubcoreMesh(
        core_axis_name="c", subcore_axis_name="s",
        num_cores=NC, num_subcores=NS)

    @functools.partial(
        pl.kernel,
        out_type=jax.ShapeDtypeStruct((NC * N, D), jnp.float32),
        mesh=mesh,
        scratch_types=[
            pltpu.VMEM((E_PER_BLK,), jnp.int32),
            pltpu.VMEM((E_PER_BLK,), jnp.int32),
            [pltpu.VMEM((CHUNK, D), jnp.float32) for _ in range(NBUF)],
            pltpu.VMEM_SHARED((N, D), jnp.float32),
            [pltpu.SemaphoreType.DMA for _ in range(NBUF)],
            [pltpu.SemaphoreType.DMA for _ in range(NBUF)],
        ],
    )
    def k(h_hbm, src_hbm, dst_hbm, z_hbm, out_hbm, idx_s, idx_d, rows, acc,
          gsem, ssem):
        ci = lax.axis_index("c")
        si = lax.axis_index("s")
        wid = si * NC + ci

        def zbody(j, carry):
            @pl.when(j % NS == si)
            def _():
                pltpu.sync_copy(z_hbm, acc.at[pl.ds(j * RCHUNK, RCHUNK)])
            return carry

        lax.fori_loop(0, N_RCHUNKS, zbody, 0)
        plsc.subcore_barrier()

        def drain_scatter(b):
            pltpu.make_async_copy(
                rows[b], acc.at[idx_d.at[pl.ds(0, CHUNK)]], ssem[b]).wait()

        def wait_gather(b):
            pltpu.make_async_copy(
                h_hbm.at[idx_s.at[pl.ds(0, CHUNK)]], rows[b], gsem[b]).wait()

        def gather(c, b):
            pltpu.async_copy(
                h_hbm.at[idx_s.at[pl.ds(c * CHUNK, CHUNK)]], rows[b], gsem[b])

        def scatter(c, b):
            pltpu.async_copy(
                rows[b], acc.at[idx_d.at[pl.ds(c * CHUNK, CHUNK)]], ssem[b],
                add=True)

        @pl.loop(0, N_BLOCKS)
        def block(p):
            ds_i = pltpu.async_copy(
                src_hbm.at[pl.ds(wid * E_PER_W + p * E_PER_BLK, E_PER_BLK)],
                idx_s, gsem[0])
            dd_i = pltpu.async_copy(
                dst_hbm.at[pl.ds(wid * E_PER_W + p * E_PER_BLK, E_PER_BLK)],
                idx_d, gsem[1])
            ds_i.wait()
            dd_i.wait()

            @pl.loop(0, RINGS_PER_BLK)
            def ring(t):
                base = t * NBUF
                for b in range(NBUF):
                    @pl.when(t > 0)
                    def _(b=b):
                        drain_scatter(b)
                    gather(base + b, b)
                for b in range(NBUF):
                    wait_gather(b)
                    scatter(base + b, b)

            tail = CH_PER_BLK - 1
            drain_scatter(0)
            gather(tail, 0)
            wait_gather(0)
            scatter(tail, 0)
            for b in range(NBUF):
                drain_scatter(b)

        plsc.subcore_barrier()

        def obody(j, carry):
            @pl.when(j % NS == si)
            def _():
                pltpu.sync_copy(
                    acc.at[pl.ds(j * RCHUNK, RCHUNK)],
                    out_hbm.at[pl.ds(ci * N + j * RCHUNK, RCHUNK)])
            return carry

        lax.fori_loop(0, N_RCHUNKS, obody, 0)

    return k(h, src, dst, zrows)


def _head_body(r_ref, l_ref, p0_ref, p1_ref, wua_ref, wub_ref, we1a_ref,
               we1b_ref, we2_ref, woa_ref, wob_ref, bu_ref, b1_ref, b2_ref,
               bo_ref, o_ref):
    f32 = jnp.float32
    agg = p0_ref[...] + p1_ref[...]
    lt = jnp.maximum(
        jnp.dot(l_ref[...], wua_ref[...], preferred_element_type=f32)
        + jnp.dot(agg, wub_ref[...], preferred_element_type=f32)
        + bu_ref[...], 0.0)
    pre1 = (jnp.dot(r_ref[...], we1a_ref[...], preferred_element_type=f32)
            + jnp.dot(lt, we1b_ref[...], preferred_element_type=f32)
            + b1_ref[...])
    e1 = jnp.where(pre1 >= 0, pre1, 0.01 * pre1)
    e2 = jnp.maximum(
        jnp.dot(lt, we2_ref[...], preferred_element_type=f32) + b2_ref[...],
        0.0)
    fo = jnp.maximum(
        jnp.dot(e1, woa_ref[...], preferred_element_type=f32)
        + jnp.dot(e2, wob_ref[...], preferred_element_type=f32)
        + bo_ref[...], 0.0)
    prefactor = 1.380649e-23 * 353.0 / 6.62607015e-34 / 3.6
    o_ref[...] = prefactor * jnp.exp(-fo * 4184.0 / 8.31 / 353.0)


def _head(reactant, ligand, partials, W_upd, b_upd, W_e1, b_e1, W_e2, b_e2,
          W_out, b_out):
    full = lambda shape: pl.BlockSpec(shape, lambda i: tuple(0 for _ in shape))
    return pl.pallas_call(
        _head_body,
        grid=(GRID,),
        in_specs=[
            pl.BlockSpec((BLK, D), lambda i: (i, 0)),
            pl.BlockSpec((BLK, D), lambda i: (i, 0)),
            pl.BlockSpec((BLK, D), lambda i: (i, 0)),
            pl.BlockSpec((BLK, D), lambda i: (i + GRID, 0)),
            full((D, D)),
            full((D, D)),
            full((D, 256)),
            full((D, 256)),
            full((D, D)),
            full((256, 384)),
            full((D, 384)),
            full((1, D)),
            full((1, 256)),
            full((1, D)),
            full((1, 384)),
        ],
        out_specs=pl.BlockSpec((BLK, 384), lambda i: (i, 0)),
        out_shape=jax.ShapeDtypeStruct((N, 384), jnp.float32),
    )(reactant, ligand, partials, partials,
      W_upd[:D], W_upd[D:], W_e1[:D], W_e1[D:], W_e2,
      W_out[:256], W_out[256:],
      b_upd.reshape(1, D), b_e1.reshape(1, 256), b_e2.reshape(1, D),
      b_out.reshape(1, 384))


def kernel(reactant_data, ligand_data, edge_index, W_msg, b_msg, W_upd, b_upd,
           W_e1, b_e1, W_e2, b_e2, W_out, b_out):
    h = _msg_matmul(ligand_data, W_msg, b_msg)
    zrows = jnp.zeros((RCHUNK, D), jnp.float32)
    partials = _sc_segment_sum(h, edge_index[0], edge_index[1], zrows)
    return _head(reactant_data, ligand_data, partials, W_upd, b_upd,
                 W_e1, b_e1, W_e2, b_e2, W_out, b_out)

# --- scband reference (transcript-rebuilt; emitter-appended) ---
"""Pipeline reference for scband-advanced-model-22754736734957 (READ-ONLY COPY).

The authoritative reference and input builder live on the scoring server;
editing this copy changes nothing except your own understanding.
"""

import jax, jax.numpy as jnp
import numpy as np

N_NODES = 10000
N_EDGES = 320000
D_FEAT = 128
D_LIG = 128
D_REACT = 128


def setup_inputs(seed: int = 0) -> dict:
    key = jax.random.key(seed)
    ks = jax.random.split(key, 16)
    reactant_data = jax.random.normal(ks[0], (N_NODES, D_REACT), dtype=jnp.float32)
    ligand_data = jax.random.normal(ks[1], (N_NODES, D_FEAT), dtype=jnp.float32)
    edge_index = jax.random.randint(ks[2], (2, N_EDGES), 0, N_NODES, dtype=jnp.int32)
    # MPNN (gnn_layer) parameters: message MLP + update MLP, fixed graph buffer edge_index
    W_msg = jax.random.normal(ks[3], (D_FEAT, D_FEAT), dtype=jnp.float32) * (1.0 / np.sqrt(D_FEAT))
    b_msg = jnp.zeros((D_FEAT,), dtype=jnp.float32)
    W_upd = jax.random.normal(ks[4], (D_FEAT + D_FEAT, D_LIG), dtype=jnp.float32) * (1.0 / np.sqrt(2 * D_FEAT))
    b_upd = jnp.zeros((D_LIG,), dtype=jnp.float32)
    # dense_E1: Linear(256, 256) + LeakyReLU
    W_e1 = jax.random.normal(ks[5], (D_REACT + D_LIG, 256), dtype=jnp.float32) * (1.0 / np.sqrt(D_REACT + D_LIG))
    b_e1 = jnp.zeros((256,), dtype=jnp.float32)
    # dense_E2: Linear(128, 128) + relu
    W_e2 = jax.random.normal(ks[6], (D_LIG, 128), dtype=jnp.float32) * (1.0 / np.sqrt(D_LIG))
    b_e2 = jnp.zeros((128,), dtype=jnp.float32)
    # dense_output: Linear(384, 384) + relu
    W_out = jax.random.normal(ks[7], (384, 384), dtype=jnp.float32) * (1.0 / np.sqrt(384))
    b_out = jnp.zeros((384,), dtype=jnp.float32)
    return {
        'reactant_data': reactant_data,
        'ligand_data': ligand_data,
        'edge_index': edge_index,
        'W_msg': W_msg, 'b_msg': b_msg,
        'W_upd': W_upd, 'b_upd': b_upd,
        'W_e1': W_e1, 'b_e1': b_e1,
        'W_e2': W_e2, 'b_e2': b_e2,
        'W_out': W_out, 'b_out': b_out,
    }


def reference(reactant_data, ligand_data, edge_index, W_msg, b_msg, W_upd, b_upd,
              W_e1, b_e1, W_e2, b_e2, W_out, b_out):
    # --- MPNN layer (gnn_layer): gather -> edge MLP -> scatter-add -> node update ---
    src = edge_index[0]
    dst = edge_index[1]
    x_src = jnp.take(ligand_data, src, axis=0)                      # gather  [E, d]
    msgs = jax.nn.relu(x_src @ W_msg + b_msg)                        # edge transform
    agg = jax.ops.segment_sum(msgs, dst, num_segments=N_NODES)      # scatter-add [N, d]
    ligand_tensor = jax.nn.relu(jnp.concatenate([ligand_data, agg], axis=1) @ W_upd + b_upd)  # [N, 128]
    # --- dense_E1 on cat(reactant, ligand) ---
    E1_inputs = jnp.concatenate([reactant_data, ligand_tensor], axis=1)  # [N, 256]
    E1_outputs = jax.nn.leaky_relu(E1_inputs @ W_e1 + b_e1, negative_slope=0.01)
    # --- dense_E2 on ligand alone ---
    E2_outputs = jax.nn.relu(ligand_tensor @ W_e2 + b_e2)
    # --- dense_output on cat(E1, E2) ---
    concatenated = jnp.concatenate([E1_outputs, E2_outputs], axis=1)     # [N, 384]
    final_outputs = jax.nn.relu(concatenated @ W_out + b_out)
    # --- Arrhenius transform ---
    h_constant = 6.62607015e-34
    kb_constant = 1.380649e-23
    j_to_kcal = 4184.0
    R_constant = 8.31
    temperature = 273.0 + 80.0
    s_to_h = 3.6
    prefactor = kb_constant * temperature / h_constant / s_to_h
    return prefactor * jnp.exp(-final_outputs * j_to_kcal / R_constant / temperature)

if __name__ == "__main__":
    import jax
    _d = setup_inputs()
    print(jax.jit(kernel)(*tuple(_d.values())))

</pallas_src>

<mosaic_0001>
#map = affine_map<(d0, d1) -> (0, 0)>
#map1 = affine_map<(d0, d1) -> (0)>
module attributes {stable_mosaic.version = 14 : i64} {
  func.func @k(%arg0: i32, %arg1: i32, %arg2: memref<10000x128xf32, #tpu.memory_space<hbm>>, %arg3: memref<320000xi32, #tpu.memory_space<hbm>>, %arg4: memref<320000xi32, #tpu.memory_space<hbm>>, %arg5: memref<200x128xf32, #tpu.memory_space<hbm>>, %arg6: memref<20000x128xf32, #tpu.memory_space<hbm>>, %arg7: memref<2000xi32, #tpu.memory_space<vmem>>, %arg8: memref<2000xi32, #tpu.memory_space<vmem>>, %arg9: memref<80x128xf32, #tpu.memory_space<vmem>>, %arg10: memref<80x128xf32, #tpu.memory_space<vmem>>, %arg11: memref<80x128xf32, #tpu.memory_space<vmem>>, %arg12: memref<80x128xf32, #tpu.memory_space<vmem>>, %arg13: memref<10000x128xf32, #tpu.memory_space<vmem_shared>>, %arg14: memref<!tpu.dma_semaphore, #tpu.memory_space<semaphore_mem>>, %arg15: memref<!tpu.dma_semaphore, #tpu.memory_space<semaphore_mem>>, %arg16: memref<!tpu.dma_semaphore, #tpu.memory_space<semaphore_mem>>, %arg17: memref<!tpu.dma_semaphore, #tpu.memory_space<semaphore_mem>>, %arg18: memref<!tpu.dma_semaphore, #tpu.memory_space<semaphore_mem>>, %arg19: memref<!tpu.dma_semaphore, #tpu.memory_space<semaphore_mem>>, %arg20: memref<!tpu.dma_semaphore, #tpu.memory_space<semaphore_mem>>, %arg21: memref<!tpu.dma_semaphore, #tpu.memory_space<semaphore_mem>>) attributes {dimension_semantics = [#tpu.dimension_semantics<core_parallel>, #tpu.dimension_semantics<subcore_parallel>], iteration_bounds = array<i64: 2, 16>, scalar_prefetch = 0 : i64, scratch_operands = 15 : i64, tpu.core_type = #tpu.core_type<sc_vector_subcore>, window_params = [{transform_indices = #map}, {transform_indices = #map1}, {transform_indices = #map1}, {transform_indices = #map}, {transform_indices = #map}]} {
    %mul3A = arith.constant 2 : i32
    %mul3A_0 = arith.muli %arg1, %mul3A : i32
    %add3A = arith.addi %mul3A_0, %arg0 : i32
    %scan3A = arith.constant 0 : i32
    %scan3A_1 = arith.constant 0 : i32
    %scan3A_2 = arith.constant 50 : i32
    %scan3A_3 = arith.addi %scan3A_1, %scan3A_2 : i32
    %scan3A_4 = arith.constant 1 : i32
    scf.for %scan3A_18 = %scan3A_1 to %scan3A_3 step %scan3A_4  : i32 {
      %jit3A = arith.constant 16 : i32
      %eq3A = arith.constant 0 : i32
      %eq3A_19 = arith.cmpi eq, %jit3A, %eq3A : i32
      %jit3A_20 = arith.constant 1 : i32
      %select_n3A = arith.select %eq3A_19, %jit3A_20, %jit3A : i32
      %rem3A = arith.remsi %scan3A_18, %select_n3A : i32
      %ne3A = arith.constant 0 : i32
      %ne3A_21 = arith.cmpi ne, %rem3A, %ne3A : i32
      %lt3A = arith.constant 0 : i32
      %lt3A_22 = arith.cmpi slt, %rem3A, %lt3A : i32
      %lt3A_23 = arith.constant 0 : i32
      %lt3A_24 = arith.cmpi slt, %select_n3A, %lt3A_23 : i32
      %ne3A_25 = arith.xori %lt3A_22, %lt3A_24 : i1
      %and3A = arith.andi %ne3A_25, %ne3A_21 : i1
      %add3A_26 = arith.addi %rem3A, %select_n3A : i32
      %select_n3A_27 = arith.select %and3A, %add3A_26, %rem3A : i32
      %eq3A_28 = arith.cmpi eq, %select_n3A_27, %arg1 : i32
      %convert_element_type3A = arith.extui %eq3A_28 : i1 to i32
      %cond3A = arith.constant 0 : i32
      %cond3A_29 = arith.cmpi ne, %convert_element_type3A, %cond3A : i32
      scf.if %cond3A_29 {
        %mul3A_30 = arith.constant 200 : i32
        %mul3A_31 = arith.muli %scan3A_18, %mul3A_30 : i32
        "tpu.region"() ({
          %run_scoped3A = tpu.sem_alloc : memref<!tpu.dma_semaphore, #tpu.memory_space<semaphore_mem>>
          %dma_start3A = arith.constant 0 : i32
          %dma_start3A_32 = tpu.memref_slice %arg13[%mul3A_31, %dma_start3A] : memref<10000x128xf32, #tpu.memory_space<vmem_shared>> -> memref<200x128xf32, #tpu.memory_space<vmem_shared>>
          tpu.enqueue_dma source(%arg5 : memref<200x128xf32, #tpu.memory_space<hbm>>) target(%dma_start3A_32 : memref<200x128xf32, #tpu.memory_space<vmem_shared>>) target_semaphore(%run_scoped3A : memref<!tpu.dma_semaphore, #tpu.memory_space<semaphore_mem>>)
          %dma_wait3A = arith.constant 0 : i32
          %dma_wait3A_33 = tpu.memref_slice %arg13[%mul3A_31, %dma_wait3A] : memref<10000x128xf32, #tpu.memory_space<vmem_shared>> -> memref<200x128xf32, #tpu.memory_space<vmem_shared>>
          tpu.wait_dma2 semaphore(%run_scoped3A : memref<!tpu.dma_semaphore, #tpu.memory_space<semaphore_mem>>) src(%arg5 : memref<200x128xf32, #tpu.memory_space<hbm>>) dst(%dma_wait3A_33 : memref<200x128xf32, #tpu.memory_space<vmem_shared>>)
          tpu.yield
        }) : () -> ()
      } else {
      }
    }
    %scan3A_5 = arith.constant 50 : i32
    %barrier3A = arith.constant 0 : index
    tpu.barrier barrier_id(%barrier3A)
    %scan3A_6 = arith.constant 0 : i32
    %scan3A_7 = arith.constant 5 : i32
    %scan3A_8 = arith.addi %scan3A_6, %scan3A_7 : i32
    %scan3A_9 = arith.constant 1 : i32
    scf.for %scan3A_18 = %scan3A_6 to %scan3A_8 step %scan3A_9  : i32 {
      %mul3A_19 = arith.constant 1 : i32
      %mul3A_20 = arith.muli %scan3A_18, %mul3A_19 : i32
      %add3A_21 = arith.constant 0 : i32
      %add3A_22 = arith.addi %add3A_21, %mul3A_20 : i32
      %mul3A_23 = arith.constant 10000 : i32
      %mul3A_24 = arith.muli %add3A, %mul3A_23 : i32
      %mul3A_25 = arith.constant 2000 : i32
      %mul3A_26 = arith.muli %add3A_22, %mul3A_25 : i32
      %add3A_27 = arith.addi %mul3A_24, %mul3A_26 : i32
      %dma_start3A = tpu.memref_slice %arg3[%add3A_27] : memref<320000xi32, #tpu.memory_space<hbm>> -> memref<2000xi32, #tpu.memory_space<hbm>>
      %dma_start3A_28 = tpu.memref_slice %arg3[%add3A_27] : memref<320000xi32, #tpu.memory_space<hbm>> -> memref<2000xi32, #tpu.memory_space<hbm>>
      tpu.enqueue_dma source(%dma_start3A_28 : memref<2000xi32, #tpu.memory_space<hbm>>) target(%arg7 : memref<2000xi32, #tpu.memory_space<vmem>>) target_semaphore(%arg14 : memref<!tpu.dma_semaphore, #tpu.memory_space<semaphore_mem>>)
      %mul3A_29 = arith.constant 10000 : i32
      %mul3A_30 = arith.muli %add3A, %mul3A_29 : i32
      %mul3A_31 = arith.constant 2000 : i32
      %mul3A_32 = arith.muli %add3A_22, %mul3A_31 : i32
      %add3A_33 = arith.addi %mul3A_30, %mul3A_32 : i32
      %dma_start3A_34 = tpu.memref_slice %arg4[%add3A_33] : memref<320000xi32, #tpu.memory_space<hbm>> -> memref<2000xi32, #tpu.memory_space<hbm>>
      %dma_start3A_35 = tpu.memref_slice %arg4[%add3A_33] : memref<320000xi32, #tpu.memory_space<hbm>> -> memref<2000xi32, #tpu.memory_space<hbm>>
      tpu.enqueue_dma source(%dma_start3A_35 : memref<2000xi32, #tpu.memory_space<hbm>>) target(%arg8 : memref<2000xi32, #tpu.memory_space<vmem>>) target_semaphore(%arg15 : memref<!tpu.dma_semaphore, #tpu.memory_space<semaphore_mem>>)
      %dma_wait3A = tpu.memref_slice %arg3[%add3A_27] : memref<320000xi32, #tpu.memory_space<hbm>> -> memref<2000xi32, #tpu.memory_space<hbm>>
      %dma_wait3A_36 = tpu.memref_slice %arg3[%add3A_27] : memref<320000xi32, #tpu.memory_space<hbm>> -> memref<2000xi32, #tpu.memory_space<hbm>>
      tpu.wait_dma2 semaphore(%arg14 : memref<!tpu.dma_semaphore, #tpu.memory_space<semaphore_mem>>) src(%dma_wait3A_36 : memref<2000xi32, #tpu.memory_space<hbm>>) dst(%arg7 : memref<2000xi32, #tpu.memory_space<vmem>>)
      %dma_wait3A_37 = tpu.memref_slice %arg4[%add3A_33] : memref<320000xi32, #tpu.memory_space<hbm>> -> memref<2000xi32, #tpu.memory_space<hbm>>
      %dma_wait3A_38 = tpu.memref_slice %arg4[%add3A_33] : memref<320000xi32, #tpu.memory_space<hbm>> -> memref<2000xi32, #tpu.memory_space<hbm>>
      tpu.wait_dma2 semaphore(%arg15 : memref<!tpu.dma_semaphore, #tpu.memory_space<semaphore_mem>>) src(%dma_wait3A_38 : memref<2000xi32, #tpu.memory_space<hbm>>) dst(%arg8 : memref<2000xi32, #tpu.memory_space<vmem>>)
      %scan3A_39 = arith.constant 0 : i32
      %scan3A_40 = arith.constant 6 : i32
      %scan3A_41 = arith.addi %scan3A_39, %scan3A_40 : i32
      %scan3A_42 = arith.constant 1 : i32
      scf.for %scan3A_84 = %scan3A_39 to %scan3A_41 step %scan3A_42  : i32 {
        %mul3A_85 = arith.constant 1 : i32
        %mul3A_86 = arith.muli %scan3A_84, %mul3A_85 : i32
        %add3A_87 = arith.constant 0 : i32
        %add3A_88 = arith.addi %add3A_87, %mul3A_86 : i32
        %mul3A_89 = arith.constant 4 : i32
        %mul3A_90 = arith.muli %add3A_88, %mul3A_89 : i32
        %gt3A = arith.constant 0 : i32
        %gt3A_91 = arith.cmpi sgt, %add3A_88, %gt3A : i32
        %convert_element_type3A = arith.extui %gt3A_91 : i1 to i32
        %cond3A = arith.constant 0 : i32
        %cond3A_92 = arith.cmpi ne, %convert_element_type3A, %cond3A : i32
        scf.if %cond3A_92 {
          %dma_wait3A_192 = arith.constant 0 : i32
          %dma_wait3A_193 = tpu.memref_slice %arg8[%dma_wait3A_192] : memref<2000xi32, #tpu.memory_space<vmem>> -> memref<80xi32, #tpu.memory_space<vmem>>
          %dma_wait3A_194 = arith.constant 0 : i32
          %dma_wait3A_195 = arith.constant 0 : i32
          %dma_wait3A_196 = tpu.memref_slice %arg13[%dma_wait3A_194, %dma_wait3A_195] : memref<10000x128xf32, #tpu.memory_space<vmem_shared>> -> memref<10000x128xf32, #tpu.memory_space<vmem_shared>>
          tpu.wait_indirect_dma semaphore(%arg18 : memref<!tpu.dma_semaphore, #tpu.memory_space<semaphore_mem>>) src(%arg9 : memref<80x128xf32, #tpu.memory_space<vmem>>) dst(%dma_wait3A_196 : memref<10000x128xf32, #tpu.memory_space<vmem_shared>>)
        } else {
        }
        %add3A_93 = arith.constant 0 : i32
        %add3A_94 = arith.addi %mul3A_90, %add3A_93 : i32
        %mul3A_95 = arith.constant 80 : i32
        %mul3A_96 = arith.muli %add3A_94, %mul3A_95 : i32
        %dma_start3A_97 = tpu.memref_slice %arg7[%mul3A_96] : memref<2000xi32, #tpu.memory_space<vmem>> -> memref<80xi32, #tpu.memory_space<vmem>>
        %dma_start3A_98 = arith.constant 0 : i32
        %dma_start3A_99 = arith.constant 0 : i32
        %dma_start3A_100 = tpu.memref_slice %arg2[%dma_start3A_98, %dma_start3A_99] : memref<10000x128xf32, #tpu.memory_space<hbm>> -> memref<10000x128xf32, #tpu.memory_space<hbm>>
        tpu.enqueue_indirect_dma source(%dma_start3A_100 : memref<10000x128xf32, #tpu.memory_space<hbm>>) target(%arg9 : memref<80x128xf32, #tpu.memory_space<vmem>>) offsets(%dma_start3A_97 : memref<80xi32, #tpu.memory_space<vmem>>) semaphore(%arg14 : memref<!tpu.dma_semaphore, #tpu.memory_space<semaphore_mem>>)
        %gt3A_101 = arith.constant 0 : i32
        %gt3A_102 = arith.cmpi sgt, %add3A_88, %gt3A_101 : i32
        %convert_element_type3A_103 = arith.extui %gt3A_102 : i1 to i32
        %cond3A_104 = arith.constant 0 : i32
        %cond3A_105 = arith.cmpi ne, %convert_element_type3A_103, %cond3A_104 : i32
        scf.if %cond3A_105 {
          %dma_wait3A_192 = arith.constant 0 : i32
          %dma_wait3A_193 = tpu.memref_slice %arg8[%dma_wait3A_192] : memref<2000xi32, #tpu.memory_space<vmem>> -> memref<80xi32, #tpu.memory_space<vmem>>
          %dma_wait3A_194 = arith.constant 0 : i32
          %dma_wait3A_195 = arith.constant 0 : i32
          %dma_wait3A_196 = tpu.memref_slice %arg13[%dma_wait3A_194, %dma_wait3A_195] : memref<10000x128xf32, #tpu.memory_space<vmem_shared>> -> memref<10000x128xf32, #tpu.memory_space<vmem_shared>>
          tpu.wait_indirect_dma semaphore(%arg19 : memref<!tpu.dma_semaphore, #tpu.memory_space<semaphore_mem>>) src(%arg10 : memref<80x128xf32, #tpu.memory_space<vmem>>) dst(%dma_wait3A_196 : memref<10000x128xf32, #tpu.memory_space<vmem_shared>>)
        } else {
        }
        %add3A_106 = arith.constant 1 : i32
        %add3A_107 = arith.addi %mul3A_90, %add3A_106 : i32
        %mul3A_108 = arith.constant 80 : i32
        %mul3A_109 = arith.muli %add3A_107, %mul3A_108 : i32
        %dma_start3A_110 = tpu.memref_slice %arg7[%mul3A_109] : memref<2000xi32, #tpu.memory_space<vmem>> -> memref<80xi32, #tpu.memory_space<vmem>>
        %dma_start3A_111 = arith.constant 0 : i32
        %dma_start3A_112 = arith.constant 0 : i32
        %dma_start3A_113 = tpu.memref_slice %arg2[%dma_start3A_111, %dma_start3A_112] : memref<10000x128xf32, #tpu.memory_space<hbm>> -> memref<10000x128xf32, #tpu.memory_space<hbm>>
        tpu.enqueue_indirect_dma source(%dma_start3A_113 : memref<10000x128xf32, #tpu.memory_space<hbm>>) target(%arg10 : memref<80x128xf32, #tpu.memory_space<vmem>>) offsets(%dma_start3A_110 : memref<80xi32, #tpu.memory_space<vmem>>) semaphore(%arg15 : memref<!tpu.dma_semaphore, #tpu.memory_space<semaphore_mem>>)
        %gt3A_114 = arith.constant 0 : i32
        %gt3A_115 = arith.cmpi sgt, %add3A_88, %gt3A_114 : i32
        %convert_element_type3A_116 = arith.extui %gt3A_115 : i1 to i32
        %cond3A_117 = arith.constant 0 : i32
        %cond3A_118 = arith.cmpi ne, %convert_element_type3A_116, %cond3A_117 : i32
        scf.if %cond3A_118 {
          %dma_wait3A_192 = arith.constant 0 : i32
          %dma_wait3A_193 = tpu.memref_slice %arg8[%dma_wait3A_192] : memref<2000xi32, #tpu.memory_space<vmem>> -> memref<80xi32, #tpu.memory_space<vmem>>
          %dma_wait3A_194 = arith.constant 0 : i32
          %dma_wait3A_195 = arith.constant 0 : i32
          %dma_wait3A_196 = tpu.memref_slice %arg13[%dma_wait3A_194, %dma_wait3A_195] : memref<10000x128xf32, #tpu.memory_space<vmem_shared>> -> memref<10000x128xf32, #tpu.memory_space<vmem_shared>>
          tpu.wait_indirect_dma semaphore(%arg20 : memref<!tpu.dma_semaphore, #tpu.memory_space<semaphore_mem>>) src(%arg11 : memref<80x128xf32, #tpu.memory_space<vmem>>) dst(%dma_wait3A_196 : memref<10000x128xf32, #tpu.memory_space<vmem_shared>>)
        } else {
        }
        %add3A_119 = arith.constant 2 : i32
        %add3A_120 = arith.addi %mul3A_90, %add3A_119 : i32
        %mul3A_121 = arith.constant 80 : i32
        %mul3A_122 = arith.muli %add3A_120, %mul3A_121 : i32
        %dma_start3A_123 = tpu.memref_slice %arg7[%mul3A_122] : memref<2000xi32, #tpu.memory_space<vmem>> -> memref<80xi32, #tpu.memory_space<vmem>>
        %dma_start3A_124 = arith.constant 0 : i32
        %dma_start3A_125 = arith.constant 0 : i32
        %dma_start3A_126 = tpu.memref_slice %arg2[%dma_start3A_124, %dma_start3A_125] : memref<10000x128xf32, #tpu.memory_space<hbm>> -> memref<10000x128xf32, #tpu.memory_space<hbm>>
        tpu.enqueue_indirect_dma source(%dma_start3A_126 : memref<10000x128xf32, #tpu.memory_space<hbm>>) target(%arg11 : memref<80x128xf32, #tpu.memory_space<vmem>>) offsets(%dma_start3A_123 : memref<80xi32, #tpu.memory_space<vmem>>) semaphore(%arg16 : memref<!tpu.dma_semaphore, #tpu.memory_space<semaphore_mem>>)
        %gt3A_127 = arith.constant 0 : i32
        %gt3A_128 = arith.cmpi sgt, %add3A_88, %gt3A_127 : i32
        %convert_element_type3A_129 = arith.extui %gt3A_128 : i1 to i32
        %cond3A_130 = arith.constant 0 : i32
        %cond3A_131 = arith.cmpi ne, %convert_element_type3A_129, %cond3A_130 : i32
        scf.if %cond3A_131 {
          %dma_wait3A_192 = arith.constant 0 : i32
          %dma_wait3A_193 = tpu.memref_slice %arg8[%dma_wait3A_192] : memref<2000xi32, #tpu.memory_space<vmem>> -> memref<80xi32, #tpu.memory_space<vmem>>
          %dma_wait3A_194 = arith.constant 0 : i32
          %dma_wait3A_195 = arith.constant 0 : i32
          %dma_wait3A_196 = tpu.memref_slice %arg13[%dma_wait3A_194, %dma_wait3A_195] : memref<10000x128xf32, #tpu.memory_space<vmem_shared>> -> memref<10000x128xf32, #tpu.memory_space<vmem_shared>>
          tpu.wait_indirect_dma semaphore(%arg21 : memref<!tpu.dma_semaphore, #tpu.memory_space<semaphore_mem>>) src(%arg12 : memref<80x128xf32, #tpu.memory_space<vmem>>) dst(%dma_wait3A_196 : memref<10000x128xf32, #tpu.memory_space<vmem_shared>>)
        } else {
        }
        %add3A_132 = arith.constant 3 : i32
        %add3A_133 = arith.addi %mul3A_90, %add3A_132 : i32
        %mul3A_134 = arith.constant 80 : i32
        %mul3A_135 = arith.muli %add3A_133, %mul3A_134 : i32
        %dma_start3A_136 = tpu.memref_slice %arg7[%mul3A_135] : memref<2000xi32, #tpu.memory_space<vmem>> -> memref<80xi32, #tpu.memory_space<vmem>>
        %dma_start3A_137 = arith.constant 0 : i32
        %dma_start3A_138 = arith.constant 0 : i32
        %dma_start3A_139 = tpu.memref_slice %arg2[%dma_start3A_137, %dma_start3A_138] : memref<10000x128xf32, #tpu.memory_space<hbm>> -> memref<10000x128xf32, #tpu.memory_space<hbm>>
        tpu.enqueue_indirect_dma source(%dma_start3A_139 : memref<10000x128xf32, #tpu.memory_space<hbm>>) target(%arg12 : memref<80x128xf32, #tpu.memory_space<vmem>>) offsets(%dma_start3A_136 : memref<80xi32, #tpu.memory_space<vmem>>) semaphore(%arg17 : memref<!tpu.dma_semaphore, #tpu.memory_space<semaphore_mem>>)
        %dma_wait3A_140 = arith.constant 0 : i32
        %dma_wait3A_141 = tpu.memref_slice %arg7[%dma_wait3A_140] : memref<2000xi32, #tpu.memory_space<vmem>> -> memref<80xi32, #tpu.memory_space<vmem>>
        %dma_wait3A_142 = arith.constant 0 : i32
        %dma_wait3A_143 = arith.constant 0 : i32
        %dma_wait3A_144 = tpu.memref_slice %arg2[%dma_wait3A_142, %dma_wait3A_143] : memref<10000x128xf32, #tpu.memory_space<hbm>> -> memref<10000x128xf32, #tpu.memory_space<hbm>>
        tpu.wait_indirect_dma semaphore(%arg14 : memref<!tpu.dma_semaphore, #tpu.memory_space<semaphore_mem>>) src(%dma_wait3A_144 : memref<10000x128xf32, #tpu.memory_space<hbm>>) dst(%arg9 : memref<80x128xf32, #tpu.memory_space<vmem>>)
        %add3A_145 = arith.constant 0 : i32
        %add3A_146 = arith.addi %mul3A_90, %add3A_145 : i32
        %mul3A_147 = arith.constant 80 : i32
        %mul3A_148 = arith.muli %add3A_146, %mul3A_147 : i32
        %dma_start3A_149 = tpu.memref_slice %arg8[%mul3A_148] : memref<2000xi32, #tpu.memory_space<vmem>> -> memref<80xi32, #tpu.memory_space<vmem>>
        %dma_start3A_150 = arith.constant 0 : i32
        %dma_start3A_151 = arith.constant 0 : i32
        %dma_start3A_152 = tpu.memref_slice %arg13[%dma_start3A_150, %dma_start3A_151] : memref<10000x128xf32, #tpu.memory_space<vmem_shared>> -> memref<10000x128xf32, #tpu.memory_space<vmem_shared>>
        tpu.enqueue_indirect_dma source(%arg9 : memref<80x128xf32, #tpu.memory_space<vmem>>) target(%dma_start3A_152 : memref<10000x128xf32, #tpu.memory_space<vmem_shared>>) offsets(%dma_start3A_149 : memref<80xi32, #tpu.memory_space<vmem>>) semaphore(%arg18 : memref<!tpu.dma_semaphore, #tpu.memory_space<semaphore_mem>>) {add = true}
        %dma_wait3A_153 = arith.constant 0 : i32
        %dma_wait3A_154 = tpu.memref_slice %arg7[%dma_wait3A_153] : memref<2000xi32, #tpu.memory_space<vmem>> -> memref<80xi32, #tpu.memory_space<vmem>>
        %dma_wait3A_155 = arith.constant 0 : i32
        %dma_wait3A_156 = arith.constant 0 : i32
        %dma_wait3A_157 = tpu.memref_slice %arg2[%dma_wait3A_155, %dma_wait3A_156] : memref<10000x128xf32, #tpu.memory_space<hbm>> -> memref<10000x128xf32, #tpu.memory_space<hbm>>
        tpu.wait_indirect_dma semaphore(%arg15 : memref<!tpu.dma_semaphore, #tpu.memory_space<semaphore_mem>>) src(%dma_wait3A_157 : memref<10000x128xf32, #tpu.memory_space<hbm>>) dst(%arg10 : memref<80x128xf32, #tpu.memory_space<vmem>>)
        %add3A_158 = arith.constant 1 : i32
        %add3A_159 = arith.addi %mul3A_90, %add3A_158 : i32
        %mul3A_160 = arith.constant 80 : i32
        %mul3A_161 = arith.muli %add3A_159, %mul3A_160 : i32
        %dma_start3A_162 = tpu.memref_slice %arg8[%mul3A_161] : memref<2000xi32, #tpu.memory_space<vmem>> -> memref<80xi32, #tpu.memory_space<vmem>>
        %dma_start3A_163 = arith.constant 0 : i32
        %dma_start3A_164 = arith.constant 0 : i32
        %dma_start3A_165 = tpu.memref_slice %arg13[%dma_start3A_163, %dma_start3A_164] : memref<10000x128xf32, #tpu.memory_space<vmem_shared>> -> memref<10000x128xf32, #tpu.memory_space<vmem_shared>>
        tpu.enqueue_indirect_dma source(%arg10 : memref<80x128xf32, #tpu.memory_space<vmem>>) target(%dma_start3A_165 : memref<10000x128xf32, #tpu.memory_space<vmem_shared>>) offsets(%dma_start3A_162 : memref<80xi32, #tpu.memory_space<vmem>>) semaphore(%arg19 : memref<!tpu.dma_semaphore, #tpu.memory_space<semaphore_mem>>) {add = true}
        %dma_wait3A_166 = arith.constant 0 : i32
        %dma_wait3A_167 = tpu.memref_slice %arg7[%dma_wait3A_166] : memref<2000xi32, #tpu.memory_space<vmem>> -> memref<80xi32, #tpu.memory_space<vmem>>
        %dma_wait3A_168 = arith.constant 0 : i32
        %dma_wait3A_169 = arith.constant 0 : i32
        %dma_wait3A_170 = tpu.memref_slice %arg2[%dma_wait3A_168, %dma_wait3A_169] : memref<10000x128xf32, #tpu.memory_space<hbm>> -> memref<10000x128xf32, #tpu.memory_space<hbm>>
        tpu.wait_indirect_dma semaphore(%arg16 : memref<!tpu.dma_semaphore, #tpu.memory_space<semaphore_mem>>) src(%dma_wait3A_170 : memref<10000x128xf32, #tpu.memory_space<hbm>>) dst(%arg11 : memref<80x128xf32, #tpu.memory_space<vmem>>)
        %add3A_171 = arith.constant 2 : i32
        %add3A_172 = arith.addi %mul3A_90, %add3A_171 : i32
        %mul3A_173 = arith.constant 80 : i32
        %mul3A_174 = arith.muli %add3A_172, %mul3A_173 : i32
        %dma_start3A_175 = tpu.memref_slice %arg8[%mul3A_174] : memref<2000xi32, #tpu.memory_space<vmem>> -> memref<80xi32, #tpu.memory_space<vmem>>
        %dma_start3A_176 = arith.constant 0 : i32
        %dma_start3A_177 = arith.constant 0 : i32
        %dma_start3A_178 = tpu.memref_slice %arg13[%dma_start3A_176, %dma_start3A_177] : memref<10000x128xf32, #tpu.memory_space<vmem_shared>> -> memref<10000x128xf32, #tpu.memory_space<vmem_shared>>
        tpu.enqueue_indirect_dma source(%arg11 : memref<80x128xf32, #tpu.memory_space<vmem>>) target(%dma_start3A_178 : memref<10000x128xf32, #tpu.memory_space<vmem_shared>>) offsets(%dma_start3A_175 : memref<80xi32, #tpu.memory_space<vmem>>) semaphore(%arg20 : memref<!tpu.dma_semaphore, #tpu.memory_space<semaphore_mem>>) {add = true}
        %dma_wait3A_179 = arith.constant 0 : i32
        %dma_wait3A_180 = tpu.memref_slice %arg7[%dma_wait3A_179] : memref<2000xi32, #tpu.memory_space<vmem>> -> memref<80xi32, #tpu.memory_space<vmem>>
        %dma_wait3A_181 = arith.constant 0 : i32
        %dma_wait3A_182 = arith.constant 0 : i32
        %dma_wait3A_183 = tpu.memref_slice %arg2[%dma_wait3A_181, %dma_wait3A_182] : memref<10000x128xf32, #tpu.memory_space<hbm>> -> memref<10000x128xf32, #tpu.memory_space<hbm>>
        tpu.wait_indirect_dma semaphore(%arg17 : memref<!tpu.dma_semaphore, #tpu.memory_space<semaphore_mem>>) src(%dma_wait3A_183 : memref<10000x128xf32, #tpu.memory_space<hbm>>) dst(%arg12 : memref<80x128xf32, #tpu.memory_space<vmem>>)
        %add3A_184 = arith.constant 3 : i32
        %add3A_185 = arith.addi %mul3A_90, %add3A_184 : i32
        %mul3A_186 = arith.constant 80 : i32
        %mul3A_187 = arith.muli %add3A_185, %mul3A_186 : i32
        %dma_start3A_188 = tpu.memref_slice %arg8[%mul3A_187] : memref<2000xi32, #tpu.memory_space<vmem>> -> memref<80xi32, #tpu.memory_space<vmem>>
        %dma_start3A_189 = arith.constant 0 : i32
        %dma_start3A_190 = arith.constant 0 : i32
        %dma_start3A_191 = tpu.memref_slice %arg13[%dma_start3A_189, %dma_start3A_190] : memref<10000x128xf32, #tpu.memory_space<vmem_shared>> -> memref<10000x128xf32, #tpu.memory_space<vmem_shared>>
        tpu.enqueue_indirect_dma source(%arg12 : memref<80x128xf32, #tpu.memory_space<vmem>>) target(%dma_start3A_191 : memref<10000x128xf32, #tpu.memory_space<vmem_shared>>) offsets(%dma_start3A_188 : memref<80xi32, #tpu.memory_space<vmem>>) semaphore(%arg21 : memref<!tpu.dma_semaphore, #tpu.memory_space<semaphore_mem>>) {add = true}
      }
      %scan3A_43 = arith.constant 6 : i32
      %dma_wait3A_44 = arith.constant 0 : i32
      %dma_wait3A_45 = tpu.memref_slice %arg8[%dma_wait3A_44] : memref<2000xi32, #tpu.memory_space<vmem>> -> memref<80xi32, #tpu.memory_space<vmem>>
      %dma_wait3A_46 = arith.constant 0 : i32
      %dma_wait3A_47 = arith.constant 0 : i32
      %dma_wait3A_48 = tpu.memref_slice %arg13[%dma_wait3A_46, %dma_wait3A_47] : memref<10000x128xf32, #tpu.memory_space<vmem_shared>> -> memref<10000x128xf32, #tpu.memory_space<vmem_shared>>
      tpu.wait_indirect_dma semaphore(%arg18 : memref<!tpu.dma_semaphore, #tpu.memory_space<semaphore_mem>>) src(%arg9 : memref<80x128xf32, #tpu.memory_space<vmem>>) dst(%dma_wait3A_48 : memref<10000x128xf32, #tpu.memory_space<vmem_shared>>)
      %dma_start3A_49 = arith.constant 1920 : i32
      %dma_start3A_50 = tpu.memref_slice %arg7[%dma_start3A_49] : memref<2000xi32, #tpu.memory_space<vmem>> -> memref<80xi32, #tpu.memory_space<vmem>>
      %dma_start3A_51 = arith.constant 0 : i32
      %dma_start3A_52 = arith.constant 0 : i32
      %dma_start3A_53 = tpu.memref_slice %arg2[%dma_start3A_51, %dma_start3A_52] : memref<10000x128xf32, #tpu.memory_space<hbm>> -> memref<10000x128xf32, #tpu.memory_space<hbm>>
      tpu.enqueue_indirect_dma source(%dma_start3A_53 : memref<10000x128xf32, #tpu.memory_space<hbm>>) target(%arg9 : memref<80x128xf32, #tpu.memory_space<vmem>>) offsets(%dma_start3A_50 : memref<80xi32, #tpu.memory_space<vmem>>) semaphore(%arg14 : memref<!tpu.dma_semaphore, #tpu.memory_space<semaphore_mem>>)
      %dma_wait3A_54 = arith.constant 0 : i32
      %dma_wait3A_55 = tpu.memref_slice %arg7[%dma_wait3A_54] : memref<2000xi32, #tpu.memory_space<vmem>> -> memref<80xi32, #tpu.memory_space<vmem>>
      %dma_wait3A_56 = arith.constant 0 : i32
      %dma_wait3A_57 = arith.constant 0 : i32
      %dma_wait3A_58 = tpu.memref_slice %arg2[%dma_wait3A_56, %dma_wait3A_57] : memref<10000x128xf32, #tpu.memory_space<hbm>> -> memref<10000x128xf32, #tpu.memory_space<hbm>>
      tpu.wait_indirect_dma semaphore(%arg14 : memref<!tpu.dma_semaphore, #tpu.memory_space<semaphore_mem>>) src(%dma_wait3A_58 : memref<10000x128xf32, #tpu.memory_space<hbm>>) dst(%arg9 : memref<80x128xf32, #tpu.memory_space<vmem>>)
      %dma_start3A_59 = arith.constant 1920 : i32
      %dma_start3A_60 = tpu.memref_slice %arg8[%dma_start3A_59] : memref<2000xi32, #tpu.memory_space<vmem>> -> memref<80xi32, #tpu.memory_space<vmem>>
      %dma_start3A_61 = arith.constant 0 : i32
      %dma_start3A_62 = arith.constant 0 : i32
      %dma_start3A_63 = tpu.memref_slice %arg13[%dma_start3A_61, %dma_start3A_62] : memref<10000x128xf32, #tpu.memory_space<vmem_shared>> -> memref<10000x128xf32, #tpu.memory_space<vmem_shared>>
      tpu.enqueue_indirect_dma source(%arg9 : memref<80x128xf32, #tpu.memory_space<vmem>>) target(%dma_start3A_63 : memref<10000x128xf32, #tpu.memory_space<vmem_shared>>) offsets(%dma_start3A_60 : memref<80xi32, #tpu.memory_space<vmem>>) semaphore(%arg18 : memref<!tpu.dma_semaphore, #tpu.memory_space<semaphore_mem>>) {add = true}
      %dma_wait3A_64 = arith.constant 0 : i32
      %dma_wait3A_65 = tpu.memref_slice %arg8[%dma_wait3A_64] : memref<2000xi32, #tpu.memory_space<vmem>> -> memref<80xi32, #tpu.memory_space<vmem>>
      %dma_wait3A_66 = arith.constant 0 : i32
      %dma_wait3A_67 = arith.constant 0 : i32
      %dma_wait3A_68 = tpu.memref_slice %arg13[%dma_wait3A_66, %dma_wait3A_67] : memref<10000x128xf32, #tpu.memory_space<vmem_shared>> -> memref<10000x128xf32, #tpu.memory_space<vmem_shared>>
      tpu.wait_indirect_dma semaphore(%arg18 : memref<!tpu.dma_semaphore, #tpu.memory_space<semaphore_mem>>) src(%arg9 : memref<80x128xf32, #tpu.memory_space<vmem>>) dst(%dma_wait3A_68 : memref<10000x128xf32, #tpu.memory_space<vmem_shared>>)
      %dma_wait3A_69 = arith.constant 0 : i32
      %dma_wait3A_70 = tpu.memref_slice %arg8[%dma_wait3A_69] : memref<2000xi32, #tpu.memory_space<vmem>> -> memref<80xi32, #tpu.memory_space<vmem>>
      %dma_wait3A_71 = arith.constant 0 : i32
      %dma_wait3A_72 = arith.constant 0 : i32
      %dma_wait3A_73 = tpu.memref_slice %arg13[%dma_wait3A_71, %dma_wait3A_72] : memref<10000x128xf32, #tpu.memory_space<vmem_shared>> -> memref<10000x128xf32, #tpu.memory_space<vmem_shared>>
      tpu.wait_indirect_dma semaphore(%arg19 : memref<!tpu.dma_semaphore, #tpu.memory_space<semaphore_mem>>) src(%arg10 : memref<80x128xf32, #tpu.memory_space<vmem>>) dst(%dma_wait3A_73 : memref<10000x128xf32, #tpu.memory_space<vmem_shared>>)
      %dma_wait3A_74 = arith.constant 0 : i32
      %dma_wait3A_75 = tpu.memref_slice %arg8[%dma_wait3A_74] : memref<2000xi32, #tpu.memory_space<vmem>> -> memref<80xi32, #tpu.memory_space<vmem>>
      %dma_wait3A_76 = arith.constant 0 : i32
      %dma_wait3A_77 = arith.constant 0 : i32
      %dma_wait3A_78 = tpu.memref_slice %arg13[%dma_wait3A_76, %dma_wait3A_77] : memref<10000x128xf32, #tpu.memory_space<vmem_shared>> -> memref<10000x128xf32, #tpu.memory_space<vmem_shared>>
      tpu.wait_indirect_dma semaphore(%arg20 : memref<!tpu.dma_semaphore, #tpu.memory_space<semaphore_mem>>) src(%arg11 : memref<80x128xf32, #tpu.memory_space<vmem>>) dst(%dma_wait3A_78 : memref<10000x128xf32, #tpu.memory_space<vmem_shared>>)
      %dma_wait3A_79 = arith.constant 0 : i32
      %dma_wait3A_80 = tpu.memref_slice %arg8[%dma_wait3A_79] : memref<2000xi32, #tpu.memory_space<vmem>> -> memref<80xi32, #tpu.memory_space<vmem>>
      %dma_wait3A_81 = arith.constant 0 : i32
      %dma_wait3A_82 = arith.constant 0 : i32
      %dma_wait3A_83 = tpu.memref_slice %arg13[%dma_wait3A_81, %dma_wait3A_82] : memref<10000x128xf32, #tpu.memory_space<vmem_shared>> -> memref<10000x128xf32, #tpu.memory_space<vmem_shared>>
      tpu.wait_indirect_dma semaphore(%arg21 : memref<!tpu.dma_semaphore, #tpu.memory_space<semaphore_mem>>) src(%arg12 : memref<80x128xf32, #tpu.memory_space<vmem>>) dst(%dma_wait3A_83 : memref<10000x128xf32, #tpu.memory_space<vmem_shared>>)
    }
    %scan3A_10 = arith.constant 5 : i32
    %barrier3A_11 = arith.constant 0 : index
    tpu.barrier barrier_id(%barrier3A_11)
    %scan3A_12 = arith.constant 0 : i32
    %scan3A_13 = arith.constant 0 : i32
    %scan3A_14 = arith.constant 50 : i32
    %scan3A_15 = arith.addi %scan3A_13, %scan3A_14 : i32
    %scan3A_16 = arith.constant 1 : i32
    scf.for %scan3A_18 = %scan3A_13 to %scan3A_15 step %scan3A_16  : i32 {
      %jit3A = arith.constant 16 : i32
      %eq3A = arith.constant 0 : i32
      %eq3A_19 = arith.cmpi eq, %jit3A, %eq3A : i32
      %jit3A_20 = arith.constant 1 : i32
      %select_n3A = arith.select %eq3A_19, %jit3A_20, %jit3A : i32
      %rem3A = arith.remsi %scan3A_18, %select_n3A : i32
      %ne3A = arith.constant 0 : i32
      %ne3A_21 = arith.cmpi ne, %rem3A, %ne3A : i32
      %lt3A = arith.constant 0 : i32
      %lt3A_22 = arith.cmpi slt, %rem3A, %lt3A : i32
      %lt3A_23 = arith.constant 0 : i32
      %lt3A_24 = arith.cmpi slt, %select_n3A, %lt3A_23 : i32
      %ne3A_25 = arith.xori %lt3A_22, %lt3A_24 : i1
      %and3A = arith.andi %ne3A_25, %ne3A_21 : i1
      %add3A_26 = arith.addi %rem3A, %select_n3A : i32
      %select_n3A_27 = arith.select %and3A, %add3A_26, %rem3A : i32
      %eq3A_28 = arith.cmpi eq, %select_n3A_27, %arg1 : i32
      %convert_element_type3A = arith.extui %eq3A_28 : i1 to i32
      %cond3A = arith.constant 0 : i32
      %cond3A_29 = arith.cmpi ne, %convert_element_type3A, %cond3A : i32
      scf.if %cond3A_29 {
        %mul3A_30 = arith.constant 200 : i32
        %mul3A_31 = arith.muli %scan3A_18, %mul3A_30 : i32
        %mul3A_32 = arith.constant 10000 : i32
        %mul3A_33 = arith.muli %arg0, %mul3A_32 : i32
        %mul3A_34 = arith.constant 200 : i32
        %mul3A_35 = arith.muli %scan3A_18, %mul3A_34 : i32
        %add3A_36 = arith.addi %mul3A_33, %mul3A_35 : i32
        "tpu.region"() ({
          %run_scoped3A = tpu.sem_alloc : memref<!tpu.dma_semaphore, #tpu.memory_space<semaphore_mem>>
          %dma_start3A = arith.constant 0 : i32
          %dma_start3A_37 = tpu.memref_slice %arg6[%add3A_36, %dma_start3A] : memref<20000x128xf32, #tpu.memory_space<hbm>> -> memref<200x128xf32, #tpu.memory_space<hbm>>
          %dma_start3A_38 = arith.constant 0 : i32
          %dma_start3A_39 = tpu.memref_slice %arg13[%mul3A_31, %dma_start3A_38] : memref<10000x128xf32, #tpu.memory_space<vmem_shared>> -> memref<200x128xf32, #tpu.memory_space<vmem_shared>>
          tpu.enqueue_dma source(%dma_start3A_39 : memref<200x128xf32, #tpu.memory_space<vmem_shared>>) target(%dma_start3A_37 : memref<200x128xf32, #tpu.memory_space<hbm>>) target_semaphore(%run_scoped3A : memref<!tpu.dma_semaphore, #tpu.memory_space<semaphore_mem>>)
          %dma_wait3A = arith.constant 0 : i32
          %dma_wait3A_40 = tpu.memref_slice %arg6[%add3A_36, %dma_wait3A] : memref<20000x128xf32, #tpu.memory_space<hbm>> -> memref<200x128xf32, #tpu.memory_space<hbm>>
          %dma_wait3A_41 = arith.constant 0 : i32
          %dma_wait3A_42 = tpu.memref_slice %arg13[%mul3A_31, %dma_wait3A_41] : memref<10000x128xf32, #tpu.memory_space<vmem_shared>> -> memref<200x128xf32, #tpu.memory_space<vmem_shared>>
          tpu.wait_dma2 semaphore(%run_scoped3A : memref<!tpu.dma_semaphore, #tpu.memory_space<semaphore_mem>>) src(%dma_wait3A_42 : memref<200x128xf32, #tpu.memory_space<vmem_shared>>) dst(%dma_wait3A_40 : memref<200x128xf32, #tpu.memory_space<hbm>>)
          tpu.yield
        }) : () -> ()
      } else {
      }
    }
    %scan3A_17 = arith.constant 50 : i32
    return
  }
}

module attributes {stable_mosaic.version = 14 : i64} {
  func.func @_msg_body(%arg0: i32, %arg1: memref<2000x128xf32, #tpu.memory_space<vmem>>, %arg2: memref<128x128xf32, #tpu.memory_space<vmem>>, %arg3: memref<1x128xf32, #tpu.memory_space<vmem>>, %arg4: memref<2000x128xf32, #tpu.memory_space<vmem>>) attributes {dimension_semantics = [#tpu.dimension_semantics<arbitrary>], iteration_bounds = array<i64: 5>, scalar_prefetch = 0 : i64, scratch_operands = 0 : i64, tpu.core_type = #tpu.core_type<tc>, window_params = [{transform_indices = @transform_0, window_bounds = array<i64: 2000, 128>}, {pipeline_mode = #tpu.pipeline_mode<synchronous>, transform_indices = @transform_1, window_bounds = array<i64: 128, 128>}, {pipeline_mode = #tpu.pipeline_mode<synchronous>, transform_indices = @transform_2, window_bounds = array<i64: 1, 128>}, {transform_indices = @transform_3, window_bounds = array<i64: 2000, 128>}]} {
    %get3A = arith.constant 0 : index
    %get3A_0 = arith.constant 0 : index
    %get3A_1 = vector.load %arg1[%get3A, %get3A_0] : memref<2000x128xf32, #tpu.memory_space<vmem>>, vector<2000x128xf32>
    %get3A_2 = arith.constant 0 : index
    %get3A_3 = arith.constant 0 : index
    %get3A_4 = vector.load %arg2[%get3A_2, %get3A_3] : memref<128x128xf32, #tpu.memory_space<vmem>>, vector<128x128xf32>
    %dot_general3A = arith.constant dense<0.000000e+00> : vector<2000x128xf32>
    %dot_general3A_5 = tpu.matmul %get3A_1, %get3A_4, %dot_general3A {dimension_numbers = #tpu.dot_dimension_numbers<[1], [0], [0], [1], [0, 0, 1, 1], [], []>, transpose_lhs_hint = false} : vector<2000x128xf32>, vector<128x128xf32>, vector<2000x128xf32> -> vector<2000x128xf32>
    %get3A_6 = arith.constant 0 : index
    %get3A_7 = arith.constant 0 : index
    %get3A_8 = vector.load %arg3[%get3A_6, %get3A_7] : memref<1x128xf32, #tpu.memory_space<vmem>>, vector<1x128xf32>
    %add3A = vector.broadcast %get3A_8 : vector<1x128xf32> to vector<2000x128xf32>
    %add3A_9 = arith.addf %dot_general3A_5, %add3A : vector<2000x128xf32>
    %max3A = arith.constant 0.000000e+00 : f32
    %max3A_10 = vector.broadcast %max3A : f32 to vector<2000x128xf32>
    %max3A_11 = arith.maximumf %add3A_9, %max3A_10 : vector<2000x128xf32>
    %swap3A = arith.constant 0 : index
    %swap3A_12 = arith.constant 0 : index
    %swap3A_13 = vector.load %arg4[%swap3A, %swap3A_12] : memref<2000x128xf32, #tpu.memory_space<vmem>>, vector<2000x128xf32>
    tpu.vector_store %arg4[%swap3A, %swap3A_12], %max3A_11 {strides = array<i32>} : memref<2000x128xf32, #tpu.memory_space<vmem>>, vector<2000x128xf32>,
    return
  }
  func.func @transform_0(%arg0: i32) -> (i32, i32) {
    %c0_i32 = arith.constant 0 : i32
    %c0_i32_0 = arith.constant 0 : i32
    return %arg0, %c0_i32 : i32, i32
  }
  func.func @transform_1(%arg0: i32) -> (i32, i32) {
    %c0_i32 = arith.constant 0 : i32
    %c0_i32_0 = arith.constant 0 : i32
    %c0_i32_1 = arith.constant 0 : i32
    return %c0_i32, %c0_i32_0 : i32, i32
  }
  func.func @transform_2(%arg0: i32) -> (i32, i32) {
    %c0_i32 = arith.constant 0 : i32
    %c0_i32_0 = arith.constant 0 : i32
    %c0_i32_1 = arith.constant 0 : i32
    return %c0_i32, %c0_i32_0 : i32, i32
  }
  func.func @transform_3(%arg0: i32) -> (i32, i32) {
    %c0_i32 = arith.constant 0 : i32
    %c0_i32_0 = arith.constant 0 : i32
    return %arg0, %c0_i32 : i32, i32
  }
}

module attributes {stable_mosaic.version = 14 : i64} {
  func.func @_head_body(%arg0: i32, %arg1: memref<2000x128xf32, #tpu.memory_space<vmem>>, %arg2: memref<2000x128xf32, #tpu.memory_space<vmem>>, %arg3: memref<2000x128xf32, #tpu.memory_space<vmem>>, %arg4: memref<2000x128xf32, #tpu.memory_space<vmem>>, %arg5: memref<128x128xf32, #tpu.memory_space<vmem>>, %arg6: memref<128x128xf32, #tpu.memory_space<vmem>>, %arg7: memref<128x256xf32, #tpu.memory_space<vmem>>, %arg8: memref<128x256xf32, #tpu.memory_space<vmem>>, %arg9: memref<128x128xf32, #tpu.memory_space<vmem>>, %arg10: memref<256x384xf32, #tpu.memory_space<vmem>>, %arg11: memref<128x384xf32, #tpu.memory_space<vmem>>, %arg12: memref<1x128xf32, #tpu.memory_space<vmem>>, %arg13: memref<1x256xf32, #tpu.memory_space<vmem>>, %arg14: memref<1x128xf32, #tpu.memory_space<vmem>>, %arg15: memref<1x384xf32, #tpu.memory_space<vmem>>, %arg16: memref<2000x384xf32, #tpu.memory_space<vmem>>) attributes {dimension_semantics = [#tpu.dimension_semantics<arbitrary>], iteration_bounds = array<i64: 5>, scalar_prefetch = 0 : i64, scratch_operands = 0 : i64, tpu.core_type = #tpu.core_type<tc>, window_params = [{transform_indices = @transform_0, window_bounds = array<i64: 2000, 128>}, {transform_indices = @transform_1, window_bounds = array<i64: 2000, 128>}, {transform_indices = @transform_2, window_bounds = array<i64: 2000, 128>}, {transform_indices = @transform_3, window_bounds = array<i64: 2000, 128>}, {pipeline_mode = #tpu.pipeline_mode<synchronous>, transform_indices = @transform_4, window_bounds = array<i64: 128, 128>}, {pipeline_mode = #tpu.pipeline_mode<synchronous>, transform_indices = @transform_5, window_bounds = array<i64: 128, 128>}, {pipeline_mode = #tpu.pipeline_mode<synchronous>, transform_indices = @transform_6, window_bounds = array<i64: 128, 256>}, {pipeline_mode = #tpu.pipeline_mode<synchronous>, transform_indices = @transform_7, window_bounds = array<i64: 128, 256>}, {pipeline_mode = #tpu.pipeline_mode<synchronous>, transform_indices = @transform_8, window_bounds = array<i64: 128, 128>}, {pipeline_mode = #tpu.pipeline_mode<synchronous>, transform_indices = @transform_9, window_bounds = array<i64: 256, 384>}, {pipeline_mode = #tpu.pipeline_mode<synchronous>, transform_indices = @transform_10, window_bounds = array<i64: 128, 384>}, {pipeline_mode = #tpu.pipeline_mode<synchronous>, transform_indices = @transform_11, window_bounds = array<i64: 1, 128>}, {pipeline_mode = #tpu.pipeline_mode<synchronous>, transform_indices = @transform_12, window_bounds = array<i64: 1, 256>}, {pipeline_mode = #tpu.pipeline_mode<synchronous>, transform_indices = @transform_13, window_bounds = array<i64: 1, 128>}, {pipeline_mode = #tpu.pipeline_mode<synchronous>, transform_indices = @transform_14, window_bounds = array<i64: 1, 384>}, {transform_indices = @transform_15, window_bounds = array<i64: 2000, 384>}]} {
    %get3A = arith.constant 0 : index
    %get3A_0 = arith.constant 0 : index
    %get3A_1 = vector.load %arg3[%get3A, %get3A_0] : memref<2000x128xf32, #tpu.memory_space<vmem>>, vector<2000x128xf32>
    %get3A_2 = arith.constant 0 : index
    %get3A_3 = arith.constant 0 : index
    %get3A_4 = vector.load %arg4[%get3A_2, %get3A_3] : memref<2000x128xf32, #tpu.memory_space<vmem>>, vector<2000x128xf32>
    %add3A = arith.addf %get3A_1, %get3A_4 : vector<2000x128xf32>
    %get3A_5 = arith.constant 0 : index
    %get3A_6 = arith.constant 0 : index
    %get3A_7 = vector.load %arg2[%get3A_5, %get3A_6] : memref<2000x128xf32, #tpu.memory_space<vmem>>, vector<2000x128xf32>
    %get3A_8 = arith.constant 0 : index
    %get3A_9 = arith.constant 0 : index
    %get3A_10 = vector.load %arg5[%get3A_8, %get3A_9] : memref<128x128xf32, #tpu.memory_space<vmem>>, vector<128x128xf32>
    %dot_general3A = arith.constant dense<0.000000e+00> : vector<2000x128xf32>
    %dot_general3A_11 = tpu.matmul %get3A_7, %get3A_10, %dot_general3A {dimension_numbers = #tpu.dot_dimension_numbers<[1], [0], [0], [1], [0, 0, 1, 1], [], []>, transpose_lhs_hint = false} : vector<2000x128xf32>, vector<128x128xf32>, vector<2000x128xf32> -> vector<2000x128xf32>
    %get3A_12 = arith.constant 0 : index
    %get3A_13 = arith.constant 0 : index
    %get3A_14 = vector.load %arg6[%get3A_12, %get3A_13] : memref<128x128xf32, #tpu.memory_space<vmem>>, vector<128x128xf32>
    %dot_general3A_15 = arith.constant dense<0.000000e+00> : vector<2000x128xf32>
    %dot_general3A_16 = tpu.matmul %add3A, %get3A_14, %dot_general3A_15 {dimension_numbers = #tpu.dot_dimension_numbers<[1], [0], [0], [1], [0, 0, 1, 1], [], []>, transpose_lhs_hint = false} : vector<2000x128xf32>, vector<128x128xf32>, vector<2000x128xf32> -> vector<2000x128xf32>
    %add3A_17 = arith.addf %dot_general3A_11, %dot_general3A_16 : vector<2000x128xf32>
    %get3A_18 = arith.constant 0 : index
    %get3A_19 = arith.constant 0 : index
    %get3A_20 = vector.load %arg12[%get3A_18, %get3A_19] : memref<1x128xf32, #tpu.memory_space<vmem>>, vector<1x128xf32>
    %add3A_21 = vector.broadcast %get3A_20 : vector<1x128xf32> to vector<2000x128xf32>
    %add3A_22 = arith.addf %add3A_17, %add3A_21 : vector<2000x128xf32>
    %max3A = arith.constant 0.000000e+00 : f32
    %max3A_23 = vector.broadcast %max3A : f32 to vector<2000x128xf32>
    %max3A_24 = arith.maximumf %add3A_22, %max3A_23 : vector<2000x128xf32>
    %get3A_25 = arith.constant 0 : index
    %get3A_26 = arith.constant 0 : index
    %get3A_27 = vector.load %arg1[%get3A_25, %get3A_26] : memref<2000x128xf32, #tpu.memory_space<vmem>>, vector<2000x128xf32>
    %get3A_28 = arith.constant 0 : index
    %get3A_29 = arith.constant 0 : index
    %get3A_30 = vector.load %arg7[%get3A_28, %get3A_29] : memref<128x256xf32, #tpu.memory_space<vmem>>, vector<128x256xf32>
    %dot_general3A_31 = arith.constant dense<0.000000e+00> : vector<2000x256xf32>
    %dot_general3A_32 = tpu.matmul %get3A_27, %get3A_30, %dot_general3A_31 {dimension_numbers = #tpu.dot_dimension_numbers<[1], [0], [0], [1], [0, 0, 1, 1], [], []>, transpose_lhs_hint = false} : vector<2000x128xf32>, vector<128x256xf32>, vector<2000x256xf32> -> vector<2000x256xf32>
    %get3A_33 = arith.constant 0 : index
    %get3A_34 = arith.constant 0 : index
    %get3A_35 = vector.load %arg8[%get3A_33, %get3A_34] : memref<128x256xf32, #tpu.memory_space<vmem>>, vector<128x256xf32>
    %dot_general3A_36 = arith.constant dense<0.000000e+00> : vector<2000x256xf32>
    %dot_general3A_37 = tpu.matmul %max3A_24, %get3A_35, %dot_general3A_36 {dimension_numbers = #tpu.dot_dimension_numbers<[1], [0], [0], [1], [0, 0, 1, 1], [], []>, transpose_lhs_hint = false} : vector<2000x128xf32>, vector<128x256xf32>, vector<2000x256xf32> -> vector<2000x256xf32>
    %add3A_38 = arith.addf %dot_general3A_32, %dot_general3A_37 : vector<2000x256xf32>
    %get3A_39 = arith.constant 0 : index
    %get3A_40 = arith.constant 0 : index
    %get3A_41 = vector.load %arg13[%get3A_39, %get3A_40] : memref<1x256xf32, #tpu.memory_space<vmem>>, vector<1x256xf32>
    %add3A_42 = vector.broadcast %get3A_41 : vector<1x256xf32> to vector<2000x256xf32>
    %add3A_43 = arith.addf %add3A_38, %add3A_42 : vector<2000x256xf32>
    %ge3A = arith.constant 0.000000e+00 : f32
    %ge3A_44 = vector.broadcast %ge3A : f32 to vector<2000x256xf32>
    %ge3A_45 = arith.cmpf oge, %add3A_43, %ge3A_44 : vector<2000x256xf32>
    %mul3A = arith.constant 0.00999999977 : f32
    %mul3A_46 = vector.broadcast %mul3A : f32 to vector<2000x256xf32>
    %mul3A_47 = arith.mulf %mul3A_46, %add3A_43 : vector<2000x256xf32>
    %select_n3A = arith.select %ge3A_45, %add3A_43, %mul3A_47 : vector<2000x256xi1>, vector<2000x256xf32>
    %get3A_48 = arith.constant 0 : index
    %get3A_49 = arith.constant 0 : index
    %get3A_50 = vector.load %arg9[%get3A_48, %get3A_49] : memref<128x128xf32, #tpu.memory_space<vmem>>, vector<128x128xf32>
    %dot_general3A_51 = arith.constant dense<0.000000e+00> : vector<2000x128xf32>
    %dot_general3A_52 = tpu.matmul %max3A_24, %get3A_50, %dot_general3A_51 {dimension_numbers = #tpu.dot_dimension_numbers<[1], [0], [0], [1], [0, 0, 1, 1], [], []>, transpose_lhs_hint = false} : vector<2000x128xf32>, vector<128x128xf32>, vector<2000x128xf32> -> vector<2000x128xf32>
    %get3A_53 = arith.constant 0 : index
    %get3A_54 = arith.constant 0 : index
    %get3A_55 = vector.load %arg14[%get3A_53, %get3A_54] : memref<1x128xf32, #tpu.memory_space<vmem>>, vector<1x128xf32>
    %add3A_56 = vector.broadcast %get3A_55 : vector<1x128xf32> to vector<2000x128xf32>
    %add3A_57 = arith.addf %dot_general3A_52, %add3A_56 : vector<2000x128xf32>
    %max3A_58 = arith.constant 0.000000e+00 : f32
    %max3A_59 = vector.broadcast %max3A_58 : f32 to vector<2000x128xf32>
    %max3A_60 = arith.maximumf %add3A_57, %max3A_59 : vector<2000x128xf32>
    %get3A_61 = arith.constant 0 : index
    %get3A_62 = arith.constant 0 : index
    %get3A_63 = vector.load %arg10[%get3A_61, %get3A_62] : memref<256x384xf32, #tpu.memory_space<vmem>>, vector<256x384xf32>
    %dot_general3A_64 = arith.constant dense<0.000000e+00> : vector<2000x384xf32>
    %dot_general3A_65 = tpu.matmul %select_n3A, %get3A_63, %dot_general3A_64 {dimension_numbers = #tpu.dot_dimension_numbers<[1], [0], [0], [1], [0, 0, 1, 1], [], []>, transpose_lhs_hint = false} : vector<2000x256xf32>, vector<256x384xf32>, vector<2000x384xf32> -> vector<2000x384xf32>
    %get3A_66 = arith.constant 0 : index
    %get3A_67 = arith.constant 0 : index
    %get3A_68 = vector.load %arg11[%get3A_66, %get3A_67] : memref<128x384xf32, #tpu.memory_space<vmem>>, vector<128x384xf32>
    %dot_general3A_69 = arith.constant dense<0.000000e+00> : vector<2000x384xf32>
    %dot_general3A_70 = tpu.matmul %max3A_60, %get3A_68, %dot_general3A_69 {dimension_numbers = #tpu.dot_dimension_numbers<[1], [0], [0], [1], [0, 0, 1, 1], [], []>, transpose_lhs_hint = false} : vector<2000x128xf32>, vector<128x384xf32>, vector<2000x384xf32> -> vector<2000x384xf32>
    %add3A_71 = arith.addf %dot_general3A_65, %dot_general3A_70 : vector<2000x384xf32>
    %get3A_72 = arith.constant 0 : index
    %get3A_73 = arith.constant 0 : index
    %get3A_74 = vector.load %arg15[%get3A_72, %get3A_73] : memref<1x384xf32, #tpu.memory_space<vmem>>, vector<1x384xf32>
    %add3A_75 = vector.broadcast %get3A_74 : vector<1x384xf32> to vector<2000x384xf32>
    %add3A_76 = arith.addf %add3A_71, %add3A_75 : vector<2000x384xf32>
    %max3A_77 = arith.constant 0.000000e+00 : f32
    %max3A_78 = vector.broadcast %max3A_77 : f32 to vector<2000x384xf32>
    %max3A_79 = arith.maximumf %add3A_76, %max3A_78 : vector<2000x384xf32>
    %neg3A = arith.constant 0.000000e+00 : f32
    %neg3A_80 = vector.broadcast %neg3A : f32 to vector<2000x384xf32>
    %neg3A_81 = arith.subf %neg3A_80, %max3A_79 : vector<2000x384xf32>
    %mul3A_82 = arith.constant 4.184000e+03 : f32
    %mul3A_83 = vector.broadcast %mul3A_82 : f32 to vector<2000x384xf32>
    %mul3A_84 = arith.mulf %neg3A_81, %mul3A_83 : vector<2000x384xf32>
    %div3A = arith.constant 8.310000e+00 : f32
    %div3A_85 = vector.broadcast %div3A : f32 to vector<2000x384xf32>
    %div3A_86 = arith.divf %mul3A_84, %div3A_85 : vector<2000x384xf32>
    %div3A_87 = arith.constant 3.530000e+02 : f32
    %div3A_88 = vector.broadcast %div3A_87 : f32 to vector<2000x384xf32>
    %div3A_89 = arith.divf %div3A_86, %div3A_88 : vector<2000x384xf32>
    %exp3A = math.exp %div3A_89 : vector<2000x384xf32>
    %mul3A_90 = arith.constant 2.04314627E+12 : f32
    %mul3A_91 = vector.broadcast %mul3A_90 : f32 to vector<2000x384xf32>
    %mul3A_92 = arith.mulf %mul3A_91, %exp3A : vector<2000x384xf32>
    %swap3A = arith.constant 0 : index
    %swap3A_93 = arith.constant 0 : index
    %swap3A_94 = vector.load %arg16[%swap3A, %swap3A_93] : memref<2000x384xf32, #tpu.memory_space<vmem>>, vector<2000x384xf32>
    tpu.vector_store %arg16[%swap3A, %swap3A_93], %mul3A_92 {strides = array<i32>} : memref<2000x384xf32, #tpu.memory_space<vmem>>, vector<2000x384xf32>,
    return
  }
  func.func @transform_0(%arg0: i32) -> (i32, i32) {
    %c0_i32 = arith.constant 0 : i32
    %c0_i32_0 = arith.constant 0 : i32
    return %arg0, %c0_i32 : i32, i32
  }
  func.func @transform_1(%arg0: i32) -> (i32, i32) {
    %c0_i32 = arith.constant 0 : i32
    %c0_i32_0 = arith.constant 0 : i32
    return %arg0, %c0_i32 : i32, i32
  }
  func.func @transform_2(%arg0: i32) -> (i32, i32) {
    %c0_i32 = arith.constant 0 : i32
    %c0_i32_0 = arith.constant 0 : i32
    return %arg0, %c0_i32 : i32, i32
  }
  func.func @transform_3(%arg0: i32) -> (i32, i32) {
    %add3A = arith.constant 5 : i32
    %add3A_0 = arith.addi %arg0, %add3A : i32
    %c0_i32 = arith.constant 0 : i32
    %c0_i32_1 = arith.constant 0 : i32
    return %add3A_0, %c0_i32 : i32, i32
  }
  func.func @transform_4(%arg0: i32) -> (i32, i32) {
    %c0_i32 = arith.constant 0 : i32
    %c0_i32_0 = arith.constant 0 : i32
    %c0_i32_1 = arith.constant 0 : i32
    return %c0_i32, %c0_i32_0 : i32, i32
  }
  func.func @transform_5(%arg0: i32) -> (i32, i32) {
    %c0_i32 = arith.constant 0 : i32
    %c0_i32_0 = arith.constant 0 : i32
    %c0_i32_1 = arith.constant 0 : i32
    return %c0_i32, %c0_i32_0 : i32, i32
  }
  func.func @transform_6(%arg0: i32) -> (i32, i32) {
    %c0_i32 = arith.constant 0 : i32
    %c0_i32_0 = arith.constant 0 : i32
    %c0_i32_1 = arith.constant 0 : i32
    return %c0_i32, %c0_i32_0 : i32, i32
  }
  func.func @transform_7(%arg0: i32) -> (i32, i32) {
    %c0_i32 = arith.constant 0 : i32
    %c0_i32_0 = arith.constant 0 : i32
    %c0_i32_1 = arith.constant 0 : i32
    return %c0_i32, %c0_i32_0 : i32, i32
  }
  func.func @transform_8(%arg0: i32) -> (i32, i32) {
    %c0_i32 = arith.constant 0 : i32
    %c0_i32_0 = arith.constant 0 : i32
    %c0_i32_1 = arith.constant 0 : i32
    return %c0_i32, %c0_i32_0 : i32, i32
  }
  func.func @transform_9(%arg0: i32) -> (i32, i32) {
    %c0_i32 = arith.constant 0 : i32
    %c0_i32_0 = arith.constant 0 : i32
    %c0_i32_1 = arith.constant 0 : i32
    return %c0_i32, %c0_i32_0 : i32, i32
  }
  func.func @transform_10(%arg0: i32) -> (i32, i32) {
    %c0_i32 = arith.constant 0 : i32
    %c0_i32_0 = arith.constant 0 : i32
    %c0_i32_1 = arith.constant 0 : i32
    return %c0_i32, %c0_i32_0 : i32, i32
  }
  func.func @transform_11(%arg0: i32) -> (i32, i32) {
    %c0_i32 = arith.constant 0 : i32
    %c0_i32_0 = arith.constant 0 : i32
    %c0_i32_1 = arith.constant 0 : i32
    return %c0_i32, %c0_i32_0 : i32, i32
  }
  func.func @transform_12(%arg0: i32) -> (i32, i32) {
    %c0_i32 = arith.constant 0 : i32
    %c0_i32_0 = arith.constant 0 : i32
    %c0_i32_1 = arith.constant 0 : i32
    return %c0_i32, %c0_i32_0 : i32, i32
  }
  func.func @transform_13(%arg0: i32) -> (i32, i32) {
    %c0_i32 = arith.constant 0 : i32
    %c0_i32_0 = arith.constant 0 : i32
    %c0_i32_1 = arith.constant 0 : i32
    return %c0_i32, %c0_i32_0 : i32, i32
  }
  func.func @transform_14(%arg0: i32) -> (i32, i32) {
    %c0_i32 = arith.constant 0 : i32
    %c0_i32_0 = arith.constant 0 : i32
    %c0_i32_1 = arith.constant 0 : i32
    return %c0_i32, %c0_i32_0 : i32, i32
  }
  func.func @transform_15(%arg0: i32) -> (i32, i32) {
    %c0_i32 = arith.constant 0 : i32
    %c0_i32_0 = arith.constant 0 : i32
    return %arg0, %c0_i32 : i32, i32
  }
}

</mosaic_0001>

<sc_bundles>
// kernel: kernel.5.cloned.1.call-start
scs
__scs_entry_jumppad:
0x0: {  	(pc) =	sbr.rel $0x88, $3  }
0x1: {  	(tag) =	ssettag $0x0;
	lr =	simm.s32 $0x1  }
0x2: {  	[smem:$0x3F94] =	sst lr;
	_ =	strace $0xD0000000  }
0x3: {  	_ = 	snop  }
0x4: {  	_ = 	snop  }
0x5: {  	_ = 	snop  }
0x6: {  	_ = 	snop  }
0x7: {  	_ = 	snop  }
__scs_overlays_trampoline_lowered:
0x8: {  	[smem:$0x3FA3] =	sst s0  }
0x9: {  	[smem:$0x3FA4] =	sst s1  }
0xa: {  	[smem:$0x3FA5] =	sst s2  }
0xb: {  	[smem:$0x3FA6] =	sst s3  }
0xc: {  	[smem:$0x3FA7] =	sst s4  }
0xd: {  	[smem:$0x3FA8] =	sst s5  }
0xe: {  	[smem:$0x3FA9] =	sst s6  }
0xf: {  	[smem:$0x3FAA] =	sst s7  }
0x10: {  	[smem:$0x3FAB] =	sst s8  }
0x11: {  	[smem:$0x3FAC] =	sst s9;
	s0 =	simm.s32 @!p0 $0x0  }
0x12: {  	s1 =	sld [smem:$0x3F92];
	s0 =	simm.s32 @p0 $0x1  }
0x13: {  	[smem:$0x3FAD] =	sst s0;
	s0 =	simm.s32 @!p1 $0x0  }
0x14: {  	s2 =	sld [smem:$0x3F91];
	s0 =	simm.s32 @p1 $0x1  }
0x15: {  	[smem:$0x3FAE] =	sst s0;
	s0 =	simm.s32 @!p2 $0x0  }
0x16: {  	s3 =	sld [smem:$0x3FDB];
	s0 =	simm.s32 @p2 $0x1  }
0x17: {  	s4 =	simm.s32 $0x1BF5;
	[smem:$0x3FB0] =	sst s0  }
0x18: {  	s0 =	sld [smem:$0x3F93];
	_ =	swait.ge [sflag:s4], $0x0  }
0x19: {  	s7 =	sld [smem:$0x3F94]  }
0x1a: {  	s8 =	sadd.s32 $0xFFFFE003, lr  }
0x1b: {  	s9 =	sadd.s32 $0xFFFFFEF7, lr;
	s5 =	simm.s32 $0xFFFFFFFF;
	p2 =	slt.u32 s8, $0xFFFFF086  }
0x1c: {  	p1 =	slt.u32 s9, $0xF7A;
	s5 =	simm.s32 @!p2 $0x0  }
0x1d: {  	s5 =	simm.s32 @p1 $0x1;
	p0 =	seq.s32 s7, s2  }
0x1e: {  	s7 =	smul.u32 @!p0 $0xF7A, s2;
	p2 =	seq.s32 @!p0 s5, $0x0  }
0x1f: {  	s9 =	smul.u32 $0xF7A, s1;
	s8 =	simm.s32 @!p0 $0x1BF5;
	p2 =	por !p2, p0  }
0x20: {  	[sflag:s8] =	ssyncset.s32 @!p0 $0xFFFFF086;
	s6 =	sadd.s32 @!p0 s3, s7;
	s7 =	simm.s32 @!p0 $0x108  }
0x21: {  	s3 =	sadd.s32 s3, s9;
	s6 =	sadd.s32 @!p0 $0x88, s6;
	s7 =	simm.s32 @p2 $0x1082  }
0x22: {  	[simem:s7], [sflag:s8] =	dma.local @!p0 [hbm:s6], $0xF7A  }
0x23: {  	s9 =	sor.u32 $0xD0000000, s2;
	s6 =	simm.s32 $0x108;
	_ =	swait.ge @!p0 [sflag:s8], $0x0  }
0x24: {  	s3 =	sadd.s32 $0x88, s3;
	s6 =	simm.s32 @!p1 $0x1082;
	[sflag:s4] =	ssyncset.s32 $0xFFFFF086  }
0x25: {  	[simem:s6], [sflag:s4] =	dma.local [hbm:s3], $0xF7A  }
0x26: {  	[smem:$0x3F94] =	sst s1;
	(tag) =	ssettag s2;
	_ =	strace s9  }
0x27: {  	s1 =	sld [smem:$0x3FA4]  }
0x28: {  	s2 =	sld [smem:$0x3FA5]  }
0x29: {  	s4 =	sld [smem:$0x3FA7]  }
0x2a: {  	p0 =	seq.s32 s5, $0x0;
	s5 =	sld [smem:$0x3FA8]  }
0x2b: {  	s6 =	sld [smem:$0x3FA9]  }
0x2c: {  	s7 =	sld [smem:$0x3FAA]  }
0x2d: {  	s3 =	simm.s32 $0x108;
	s8 =	sld [smem:$0x3FAB]  }
0x2e: {  	s3 =	simm.s32 @!p0 $0x1082;
	s9 =	sld [smem:$0x3FAC]  }
0x2f: {  	lr =	sadd.s32 s0, s3;
	s0 =	sld [smem:$0x3FA3]  }
0x30: {  	s3 =	sld [smem:$0x3FA6]  }
0x31: {  	[smem:$0x3FAF] =	sst s10  }
0x32: {  	s10 =	sld [smem:$0x3FAD];
	_ =	sdelay $0x3  }
0x33: {  	p0 =	seq.s32 s10, $0x1;
	s10 =	sld [smem:$0x3FAF];
	_ =	sdelay $0x3  }
0x34: {  	[smem:$0x3FAF] =	sst s10  }
0x35: {  	s10 =	sld [smem:$0x3FAE];
	_ =	sdelay $0x3  }
0x36: {  	p1 =	seq.s32 s10, $0x1;
	s10 =	sld [smem:$0x3FAF];
	_ =	sdelay $0x3  }
0x37: {  	[smem:$0x3FAF] =	sst s10  }
0x38: {  	s10 =	sld [smem:$0x3FB0]  }
0x39: {  	_ = 	snop;
	(pc) =	sbr.ind lr, $3  }
0x3a: {  	_ = 	snop  }
0x3b: {  	_ = 	snop  }
0x3c: {  	p2 =	seq.s32 s10, $0x1;
	s10 =	sld [smem:$0x3FAF]  }
0x3d: {  	_ =	shalt  }
0x3e: {  	_ =	shalt  }
0x3f: {  	_ =	shalt  }
0x40: {  	_ =	shalt  }
0x41: {  	_ =	shalt  }
0x42: {  	_ =	shalt  }
0x43: {  	_ =	shalt  }
0x44: {  	_ =	shalt  }
0x45: {  	_ =	shalt  }
0x46: {  	_ =	shalt  }
0x47: {  	_ =	shalt  }
0x48: {  	_ =	shalt  }
0x49: {  	_ =	shalt  }
0x4a: {  	_ =	shalt  }
0x4b: {  	_ =	shalt  }
0x4c: {  	_ =	shalt  }
0x4d: {  	_ =	shalt  }
0x4e: {  	_ =	shalt  }
0x4f: {  	_ =	shalt  }
0x50: {  	_ =	shalt  }
0x51: {  	_ =	shalt  }
0x52: {  	_ =	shalt  }
0x53: {  	_ =	shalt  }
0x54: {  	_ =	shalt  }
0x55: {  	_ =	shalt  }
0x56: {  	_ =	shalt  }
0x57: {  	_ =	shalt  }
0x58: {  	_ =	shalt  }
0x59: {  	_ =	shalt  }
0x5a: {  	_ =	shalt  }
0x5b: {  	_ =	shalt  }
0x5c: {  	_ =	shalt  }
0x5d: {  	_ =	shalt  }
0x5e: {  	_ =	shalt  }
0x5f: {  	_ =	shalt  }
0x60: {  	_ =	shalt  }
0x61: {  	_ =	shalt  }
0x62: {  	_ =	shalt  }
0x63: {  	_ =	shalt  }
0x64: {  	_ =	shalt  }
0x65: {  	_ =	shalt  }
0x66: {  	_ =	shalt  }
0x67: {  	_ =	shalt  }
0x68: {  	_ =	shalt  }
0x69: {  	_ =	shalt  }
0x6a: {  	_ =	shalt  }
0x6b: {  	_ =	shalt  }
0x6c: {  	_ =	shalt  }
0x6d: {  	_ =	shalt  }
0x6e: {  	_ =	shalt  }
0x6f: {  	_ =	shalt  }
0x70: {  	_ =	shalt  }
0x71: {  	_ =	shalt  }
0x72: {  	_ =	shalt  }
0x73: {  	_ =	shalt  }
0x74: {  	_ =	shalt  }
0x75: {  	_ =	shalt  }
0x76: {  	_ =	shalt  }
0x77: {  	_ =	shalt  }
0x78: {  	_ =	shalt  }
0x79: {  	_ =	shalt  }
0x7a: {  	_ =	shalt  }
0x7b: {  	_ =	shalt  }
0x7c: {  	_ =	shalt  }
0x7d: {  	_ =	shalt  }
0x7e: {  	_ =	shalt  }
0x7f: {  	_ =	shalt  }
0x80: {  	_ =	shalt  }
0x81: {  	_ =	shalt  }
0x82: {  	_ =	shalt  }
0x83: {  	_ =	shalt  }
0x84: {  	_ =	shalt  }
0x85: {  	_ =	shalt  }
0x86: {  	_ =	shalt  }
0x87: {  	_ =	shalt  }
.Lfunc_end0:
.L_simem_size_0:
called_computation_lowered:
.L_overlay_start_0:
0x88: {  	s2 =	sld [smem:$0x3FD9]  }
0x89: {  	s3 =	sld [smem:$0x3FFE];
	_ =	sdelay $0x1  }
0x8a: {  	s1 =	srdreg.scid  }
0x8b: {  	s0 =	sand.u32 $0x1, s1  }
0x8c: {  	s17 =	sshll.u32 s0, $0xA;
	s2 =	sadd.s32 s3, s2  }
0x8d: {  	s2 =	sadd.s32 s2, s17  }
0x8e: {  	[smem:$0x3FBB] =	sst s2  }
0x8f: {  	_ = 	snop  }
0x90: {  	s2 =	sld [smem:$0x3FD0];
	(tm) =	ssettm $0x1  }
0x91: {  	s18 =	sld [smem:$0x3FFB];
	_ =	sdelay $0x3  }
0x92: {  	_ =	strace s18  }
0x93: {  	s3 =	sld [smem:$0x3FFC];
	_ =	sdelay $0x3  }
0x94: {  	_ =	strace s3  }
0x95: {  	s3 =	sld [smem:$0x3FFD];
	_ =	sdelay $0x3  }
0x96: {  	_ =	strace s3  }
0x97: {  	_ =	strace $0x8FFFFFFF  }
0x98: {  	s19 =	sld [smem:$0x3FDB];
	_ =	sdelay $0x1  }
0x99: {  	s4 =	simm.s32 $_scs_section_size  }
0x9a: {  	s5 =	simm.s32 $_size__tile_overlayer_lowered;
	s6 =	simm.s32 $_tile_overlayer_lowered  }
0x9b: {  	s22 =	simm.s32 $0x1BFF;
	s21 =	sshll.u32 s6, $0x1;
	s3 =	sadd.s32 s4, s19  }
0x9c: {  	s7 =	simm.s32 $0x0;
	s20 =	sshll.u32 s5, $0x1;
	s5 =	sadd.s32 s21, s3  }
0x9d: {  	[timem:s7], [sflag:s22] =	dma.local [hbm:s5], s20  }
0x9e: {  	_ =	swait.ge [sflag:s22], s20  }
0x9f: {  	s4 =	ssub.s32 $0x0, s20;
	[sflag:s22] =	ssyncset.done $0x0  }
0xa0: {  	[sflag:s22] =	ssyncadd.s32 s4;
	_ =	sdelay $0x1  }
0xa1: {  	s23 =	simm.s32 $0x1B8B  }
0xa2: {  	_ =	swait.ge [sflag:s23], $0x1  }
0xa3: {  	[sflag:s23] =	ssyncset.done $0x0  }
0xa4: {  	s25 =	simm.s32 $0x1B8E;
	s24 =	sld [smem:$0x3FFE];
	[sflag:s23] =	ssyncadd.s32 $0xFFFFFFFF  }
0xa5: {  	s26 =	simm.s32 $execute0_lowered;
	[smem:$0x3FD2] =	sst s25  }
0xa6: {  	s5 =	sshll.u32 s26, $0x1;
	_ =	strace $0x80000046;
	[dreg:$0x1] =	wrdreg $0xFFFFFFFF  }
0xa7: {  	s28 =	simm.s32 $_size_execute0_lowered;
	s3 =	sadd.s32 s3, s5;
	[dreg:$0x0] =	wrdreg $0x0  }
0xa8: {  	s5 =	sshll.u32 s28, $0x1;
	[dreg:$0x2] =	wrdreg s3  }
0xa9: {  	[dreg:$0x3] =	wrdreg s5  }
0xaa: {  	[dreg:$0x4] =	wrdreg $0xC0  }
0xab: {  	_ =	task [dreg:s7], $0x5FFFF  }
0xac: {  	[dreg:$0x1] =	wrdreg $0xFFFFFFFF  }
0xad: {  	[dreg:$0x0] =	wrdreg $0x60  }
0xae: {  	[dreg:$0x2] =	wrdreg s24  }
0xaf: {  	[dreg:$0x3] =	wrdreg s2  }
0xb0: {  	[dreg:$0x4] =	wrdreg $0xB0000  }
0xb1: {  	[dreg:$0x5] =	wrdreg $0x9  }
0xb2: {  	_ =	task.clear_ibuf [dreg:s7], $0x6FFFF;
	_ =	strace $0x90000046  }
0xb3: {  	s29 =	simm.s32 $0x9;
	_ =	strace $0x80000048  }
0xb4: {  	_ =	swait.ge [sflag:s29], $0x1  }
0xb5: {  	[sflag:s29] =	ssyncadd.s32 $0xFFFFFFFF  }
0xb6: {  	_ =	strace $0x90000048  }
0xb7: {  	_ =	sfence  }
0xb8: {  	s30 =	sld [smem:$0x0];
	_ =	sdelay $0x2  }
0xb9: {  	s31 =	sshll.u32 s1, $0xD;
	s1 =	sshrl.u32 s1, $0x2  }
0xba: {  	s3 =	sand.u32 $0x4000, s31;
	s1 =	sadd.s32 s1, s30  }
0xbb: {  	s0 =	sor.u32 s3, s0;
	s1 =	sshll.u32 s1, $0x11  }
0xbc: {  	s0 =	sor.u32 s1, s0  }
0xbd: {  	s0 =	sadd.s32 $0x8F2B, s0  }
0xbe: {  	[sflag:s0] =	ssyncadd.remote.s32 $0x1  }
0xbf: {  	_ =	sfence.sel $0xFFFF  }
0xc0: {  	[dreg:$0x0] =	wrdreg $0xFFFFFFFF;
	(pc) =	sbr.abs _section_cstart, $3  }
0xc1: {  	[dreg:$0x1] =	wrdreg $0xFFFFFFFF  }
0xc2: {  	_ =	task.clear_ibuf [dreg:s7], $0x2FFFF;
	_ =	strace $0x9FFFFFFF  }
0xc3: {  	(tm) =	ssettm $0x7FFFFFFF  }
tec
execute0_lowered:
.L_overlay_start_1:
0x0: {  	(tag) =	ssettag $0x1  }
0x1: {  	s1 =	srdreg.scid;
	s0 =	stileid.u32  }
0x2: {  	s1 =	sand.u32 $0x1, s1;
	s3 =	smul.u32 $0x4E20, s0  }
0x3: {  	s5 =	rddreg [dreg:$0x0];
	s4 =	smul.u32 $0x2710, s1  }
0x4: {  	s6 =	rddreg [dreg:$0x1]  }
0x5: {  	s2 =	rddreg [dreg:$0x2];
	s4 =	sadd.s32 s4, s3;
	s3 =	simm.s32 $0x0  }
0x6: {  	s8 =	simm.s32 $0xF0;
	[smem:$0x7FF] =	sst s3  }
0x7: {  	s9 =	simm.s32 $0x850;
	_ =	strace $0x80000047;
	[dreg:$0x7] =	wrdreg s8  }
0x8: {  	s10 =	simm.s32 $0x8A0;
	[dreg:$0x8] =	wrdreg s9  }
0x9: {  	s11 =	simm.s32 $0x8F0;
	[dreg:$0x9] =	wrdreg s10  }
0xa: {  	s12 =	simm.s32 $0x140;
	[dreg:$0xa] =	wrdreg s11  }
0xb: {  	s13 =	simm.s32 $0x190;
	[dreg:$0xb] =	wrdreg s12  }
0xc: {  	s14 =	simm.s32 $0x1E0;
	[dreg:$0xc] =	wrdreg s13  }
0xd: {  	s15 =	simm.s32 $0x230;
	[dreg:$0xd] =	wrdreg s14  }
0xe: {  	s16 =	simm.s32 $0x940;
	[dreg:$0xe] =	wrdreg s15  }
0xf: {  	s17 =	simm.s32 $0x990;
	[dreg:$0xf] =	wrdreg s16  }
0x10: {  	s18 =	simm.s32 $0x9E0;
	[dreg:$0x10] =	wrdreg s17  }
0x11: {  	s19 =	simm.s32 $0xA30;
	[dreg:$0x11] =	wrdreg s18  }
0x12: {  	s20 =	simm.s32 $0x280;
	[dreg:$0x12] =	wrdreg s19  }
0x13: {  	s21 =	simm.s32 $0x2D0;
	[dreg:$0x13] =	wrdreg s20  }
0x14: {  	s22 =	simm.s32 $0x320;
	[dreg:$0x14] =	wrdreg s21  }
0x15: {  	s23 =	simm.s32 $0x370;
	[dreg:$0x15] =	wrdreg s22  }
0x16: {  	s24 =	simm.s32 $0xA80;
	[dreg:$0x16] =	wrdreg s23  }
0x17: {  	s25 =	simm.s32 $0xAD0;
	[dreg:$0x17] =	wrdreg s24  }
0x18: {  	s26 =	simm.s32 $0xB20;
	s28 =	simm.s32 $0xE40;
	[dreg:$0x18] =	wrdreg s25  }
0x19: {  	s29 =	simm.s32 $0xE90;
	[dreg:$0x19] =	wrdreg s26;
	s10 =	simm.s32 $0x3C0  }
0x1a: {  	s30 =	simm.s32 $0xEE0;
	s12 =	simm.s32 $0x410;
	[dreg:$0x1b] =	wrdreg s10  }
0x1b: {  	s31 =	simm.s32 $0xF30;
	s13 =	simm.s32 $0x460;
	[dreg:$0x1c] =	wrdreg s12  }
0x1c: {  	s4 =	sshrl.u32 s4, $0x3;
	s14 =	simm.s32 $0x4B0;
	[dreg:$0x1d] =	wrdreg s13  }
0x1d: {  	s4 =	sadd.s32 s4, s5;
	s15 =	simm.s32 $0xBC0;
	[dreg:$0x1e] =	wrdreg s14  }
0x1e: {  	s8 =	ssub.s32 $0x2, s1;
	s16 =	simm.s32 $0xC10;
	[dreg:$0x1f] =	wrdreg s15  }
0x1f: {  	s1 =	smul.u32 $0x27100, s1;
	s17 =	simm.s32 $0xC60;
	[smem:$0x7F3] =	sst s16  }
0x20: {  	s18 =	simm.s32 $0xCB0;
	s19 =	simm.s32 $0x500;
	[smem:$0x7F4] =	sst s17  }
0x21: {  	s20 =	simm.s32 $0x550;
	s21 =	simm.s32 $0x5A0;
	[smem:$0x7F5] =	sst s18  }
0x22: {  	s22 =	simm.s32 $0x5F0;
	s23 =	simm.s32 $0xD00;
	[smem:$0x7F6] =	sst s19  }
0x23: {  	s24 =	simm.s32 $0xD50;
	s25 =	simm.s32 $0xDA0;
	[smem:$0x7F7] =	sst s20  }
0x24: {  	s26 =	simm.s32 $0xDF0;
	s7 =	sadd.s32 $0x2200, s4;
	[smem:$0x7F8] =	sst s21  }
0x25: {  	s4 =	sadd.s32 $0xC000, s4;
	s9 =	sshrl.u32 s8, $0x1;
	[smem:$0x7F9] =	sst s22  }
0x26: {  	s10 =	simm.s32 $0x2;
	s12 =	simm.s32 $0x1000;
	[smem:$0x7FA] =	sst s23  }
0x27: {  	s13 =	simm.s32 $0x3800;
	s14 =	simm.s32 $0x6000;
	[smem:$0x7FB] =	sst s24  }
0x28: {  	s15 =	simm.s32 $0x8800;
	s16 =	simm.s32 $0x3;
	[smem:$0x7FC] =	sst s25  }
0x29: {  	s17 =	simm.s32 $0x4;
	s18 =	simm.s32 $0x5;
	[smem:$0x7FD] =	sst s26  }
0x2a: {  	s19 =	simm.s32 $0x6;
	s20 =	simm.s32 $0x7;
	[dreg:$0x4] =	wrdreg s7  }
0x2b: {  	s21 =	simm.s32 $0x8;
	[dreg:$0x5] =	wrdreg s4;
	s7 =	simm.s32 $0xA0  }
0x2c: {  	s26 =	simm.s32 $0x640;
	s1 =	sadd.s32 s6, s1;
	[dreg:$0x6] =	wrdreg s7  }
0x2d: {  	s8 =	ssub.s32 s8, s9;
	s9 =	simm.s32 $0xB70;
	[smem:$0x7F1] =	sst s1  }
0x2e: {  	s4 =	sadd.s32 $0x15E00, s5;
	s5 =	sadd.s32 $0x3D000, s5;
	[dreg:$0x1a] =	wrdreg s9  }
0x2f: {  	s11 =	smax.u32 s8, $0x1;
	s8 =	simm.s32 $0x800;
	s9 =	simm.s32 $0x1  }
0x30: {  	s1 =	simm.s32 $0x0;
	[smem:$0x7F2] =	sst s11;
	s11 =	simm.s32 $0x50  }
.LBB2_1:
0x31: {  	s6 =	sand.u32 $0xF, s3  }
0x32: {  	p0 =	sne.s32 s6, s0  }
0x33: {  	[smem:$0x7F0] =	sst s1;
	s25 =	simm.s32 $0x1;
	s6 =	sshll.u32 @!p0 s0, $0x6  }
0x34: {  	s7 =	sshrl.u32 @!p0 s2, $0x3;
	s22 =	simm.s32 @!p0 $0x9;
	s6 =	sor.u32 @!p0 $0x1C09, s6  }
0x35: {  	[spmem:s7], [sflag:s6] =	dma.local @!p0 [hbm:s5], $0xC80  }
0x36: {  	s23 =	sand.u32 $0xF, s25;
	_ =	swait.ge @!p0 [sflag:s22], $0xC80  }
0x37: {  	s7 =	simm.s32 $0x2;
	s6 =	sadd.s32 $0x6400, s2;
	[sflag:s22] =	ssyncset.done @!p0 $0x0  }
.LBB2_2:
0x38: {  	[sflag:s22] =	ssyncadd.s32 @!p0 $0xFFFFF380  }
0x39: {  	p0 =	sne.s32 s23, s0;
	s23 =	smov.u32 s7;
	s7 =	sadd.s32 $0x1, s7  }
0x3a: {  	p1 =	sne.s32 s7, $0x32  }
.Ltmp0:
0x3b: {  	s22 =	sshll.u32 @!p0 s0, $0x6;
	s24 =	sshrl.u32 @!p0 s6, $0x3;
	(pc) =	sbr.rel @p1 .LBB2_2-.Ltmp0, $4  }
0x3c: {  	s25 =	sor.u32 @!p0 $0x1C09, s22;
	s22 =	simm.s32 @!p0 $0x9  }
0x3d: {  	[spmem:s24], [sflag:s25] =	dma.local @!p0 [hbm:s5], $0xC80  }
0x3e: {  	_ =	swait.ge @!p0 [sflag:s22], $0xC80  }
0x3f: {  	s23 =	sand.u32 $0xF, s23;
	s6 =	sadd.s32 $0x6400, s6;
	[sflag:s22] =	ssyncset.done @!p0 $0x0  }
0x40: {  	p1 =	sne.s32 s23, s0  }
0x41: {  	[sflag:s22] =	ssyncadd.s32 @!p0 $0xFFFFF380;
	s7 =	sshll.u32 @!p1 s0, $0x6  }
0x42: {  	s6 =	sshrl.u32 @!p1 s6, $0x3;
	s22 =	simm.s32 @!p1 $0x9;
	s7 =	sor.u32 @!p1 $0x1C09, s7  }
0x43: {  	[spmem:s6], [sflag:s7] =	dma.local @!p1 [hbm:s5], $0xC80  }
0x44: {  	_ =	swait.ge @!p1 [sflag:s22], $0xC80  }
0x45: {  	[sflag:s22] =	ssyncset.done @!p1 $0x0  }
0x46: {  	[sflag:s22] =	ssyncadd.s32 @!p1 $0xFFFFF380  }
0x47: {  	[bflag:$0x0] =	sbarrier.arrive $0xFFFF  }
0x48: {  	s24 =	rddreg [dreg:$0x5]  }
0x49: {  	s25 =	rddreg [dreg:$0x4];
	s6 =	sadd.s32 $0x0, s24  }
0x4a: {  	[tilespmem:s3], [sflag:$0x1] =	stream.linear.gather [hbm4b:s6+s3], $0x7D0, $0x38;
	[tilespmem:$0x1E880] =	vst v63  }
0x4b: {  	s1 =	sadd.s32 $0x0, s25  }
0x4c: {  	[tilespmem:s8], [sflag:$0x2] =	stream.linear.gather [hbm4b:s1+s3], $0x7D0, $0x38;
	[tilespmem:$0x1E880] =	vst v63  }
0x4d: {  	_ =	swait.ge [sflag:s9], $0x7D0  }
0x4e: {  	[sflag:s9] =	ssyncset.done $0x0  }
0x4f: {  	[sflag:s9] =	ssyncadd.s32 $0xFFFFF830  }
0x50: {  	_ =	swait.ge [sflag:s10], $0x7D0  }
0x51: {  	[sflag:s10] =	ssyncset.done $0x0  }
0x52: {  	[sflag:s10] =	ssyncadd.s32 $0xFFFFF830  }
0x53: {  	[tilespmem:s12], [sflag:$0x1] =	stream.indirect.gather [hbm4b:s4+s11], $0x80, s3, s11, $0xb8;
	[tilespmem:$0x1E880] =	vst v63  }
0x54: {  	_ = 	snop  }
0x55: {  	[tilespmem:s13], [sflag:$0x2] =	stream.indirect.gather [hbm4b:s4+s11], $0x80, s11, s11, $0xb8;
	[tilespmem:$0x1E880] =	vst v63  }
0x56: {  	s7 =	rddreg [dreg:$0x6]  }
0x57: {  	[tilespmem:s14], [sflag:$0x3] =	stream.indirect.gather [hbm4b:s4+s11], $0x80, s7, s11, $0xb8;
	[tilespmem:$0x1E880] =	vst v63  }
0x58: {  	s22 =	rddreg [dreg:$0x7]  }
0x59: {  	[tilespmem:s15], [sflag:$0x4] =	stream.indirect.gather [hbm4b:s4+s11], $0x80, s22, s11, $0xb8;
	[tilespmem:$0x1E880] =	vst v63  }
0x5a: {  	_ =	swait.ge [sflag:s9], $0x2800  }
0x5b: {  	[sflag:s9] =	ssyncset.done $0x0  }
0x5c: {  	[sflag:s9] =	ssyncadd.s32 $0xFFFFD800  }
0x5d: {  	[spmem:s2] =	stream.indirect.scatter.add.f32 [tilespmem:s12], [sflag:$0x5], $0x80, s8, s11, $0xb8;
	[tilespmem:$0x1E880] =	vst v63  }
0x5e: {  	_ =	swait.ge [sflag:s10], $0x2800  }
0x5f: {  	[sflag:s10] =	ssyncset.done $0x0  }
0x60: {  	s23 =	rddreg [dreg:$0x8];
	[sflag:s10] =	ssyncadd.s32 $0xFFFFD800  }
0x61: {  	[spmem:s2] =	stream.indirect.scatter.add.f32 [tilespmem:s13], [sflag:$0x6], $0x80, s23, s11, $0xb8;
	[tilespmem:$0x1E880] =	vst v63  }
0x62: {  	_ =	swait.ge [sflag:s16], $0x2800  }
0x63: {  	[sflag:s16] =	ssyncset.done $0x0  }
0x64: {  	s24 =	rddreg [dreg:$0x9];
	[sflag:s16] =	ssyncadd.s32 $0xFFFFD800  }
0x65: {  	[spmem:s2] =	stream.indirect.scatter.add.f32 [tilespmem:s14], [sflag:$0x7], $0x80, s24, s11, $0xb8;
	[tilespmem:$0x1E880] =	vst v63  }
0x66: {  	_ =	swait.ge [sflag:s17], $0x2800  }
0x67: {  	[sflag:s17] =	ssyncset.done $0x0  }
0x68: {  	s25 =	rddreg [dreg:$0xa];
	[sflag:s17] =	ssyncadd.s32 $0xFFFFD800  }
0x69: {  	[spmem:s2] =	stream.indirect.scatter.add.f32 [tilespmem:s15], [sflag:$0x8], $0x80, s25, s11, $0xb8;
	[tilespmem:$0x1E880] =	vst v63  }
0x6a: {  	_ =	swait.ge [sflag:s18], $0x2800  }
0x6b: {  	[sflag:s18] =	ssyncset.done $0x0  }
0x6c: {  	s1 =	rddreg [dreg:$0xb];
	[sflag:s18] =	ssyncadd.s32 $0xFFFFD800  }
0x6d: {  	[tilespmem:s12], [sflag:$0x1] =	stream.indirect.gather [hbm4b:s4+s11], $0x80, s1, s11, $0xb8;
	[tilespmem:$0x1E880] =	vst v63  }
0x6e: {  	_ =	swait.ge [sflag:s19], $0x2800  }
0x6f: {  	[sflag:s19] =	ssyncset.done $0x0  }
0x70: {  	s7 =	rddreg [dreg:$0xc];
	[sflag:s19] =	ssyncadd.s32 $0xFFFFD800  }
0x71: {  	[tilespmem:s13], [sflag:$0x2] =	stream.indirect.gather [hbm4b:s4+s11], $0x80, s7, s11, $0xb8;
	[tilespmem:$0x1E880] =	vst v63  }
0x72: {  	_ =	swait.ge [sflag:s20], $0x2800  }
0x73: {  	[sflag:s20] =	ssyncset.done $0x0  }
0x74: {  	s22 =	rddreg [dreg:$0xd];
	[sflag:s20] =	ssyncadd.s32 $0xFFFFD800  }
0x75: {  	[tilespmem:s14], [sflag:$0x3] =	stream.indirect.gather [hbm4b:s4+s11], $0x80, s22, s11, $0xb8;
	[tilespmem:$0x1E880] =	vst v63  }
0x76: {  	_ =	swait.ge [sflag:s21], $0x2800  }
0x77: {  	[sflag:s21] =	ssyncset.done $0x0  }
0x78: {  	s23 =	rddreg [dreg:$0xe];
	[sflag:s21] =	ssyncadd.s32 $0xFFFFD800  }
0x79: {  	[tilespmem:s15], [sflag:$0x4] =	stream.indirect.gather [hbm4b:s4+s11], $0x80, s23, s11, $0xb8;
	[tilespmem:$0x1E880] =	vst v63  }
0x7a: {  	_ =	swait.ge [sflag:s9], $0x2800  }
0x7b: {  	[sflag:s9] =	ssyncset.done $0x0  }
0x7c: {  	s24 =	rddreg [dreg:$0xf];
	[sflag:s9] =	ssyncadd.s32 $0xFFFFD800  }
0x7d: {  	[spmem:s2] =	stream.indirect.scatter.add.f32 [tilespmem:s12], [sflag:$0x5], $0x80, s24, s11, $0xb8;
	[tilespmem:$0x1E880] =	vst v63  }
0x7e: {  	_ =	swait.ge [sflag:s10], $0x2800  }
0x7f: {  	[sflag:s10] =	ssyncset.done $0x0  }
0x80: {  	s25 =	rddreg [dreg:$0x10];
	[sflag:s10] =	ssyncadd.s32 $0xFFFFD800  }
0x81: {  	[spmem:s2] =	stream.indirect.scatter.add.f32 [tilespmem:s13], [sflag:$0x6], $0x80, s25, s11, $0xb8;
	[tilespmem:$0x1E880] =	vst v63  }
0x82: {  	_ =	swait.ge [sflag:s16], $0x2800  }
0x83: {  	[sflag:s16] =	ssyncset.done $0x0  }
0x84: {  	s1 =	rddreg [dreg:$0x11];
	[sflag:s16] =	ssyncadd.s32 $0xFFFFD800  }
0x85: {  	[spmem:s2] =	stream.indirect.scatter.add.f32 [tilespmem:s14], [sflag:$0x7], $0x80, s1, s11, $0xb8;
	[tilespmem:$0x1E880] =	vst v63  }
0x86: {  	_ =	swait.ge [sflag:s17], $0x2800  }
0x87: {  	[sflag:s17] =	ssyncset.done $0x0  }
0x88: {  	s7 =	rddreg [dreg:$0x12];
	[sflag:s17] =	ssyncadd.s32 $0xFFFFD800  }
0x89: {  	[spmem:s2] =	stream.indirect.scatter.add.f32 [tilespmem:s15], [sflag:$0x8], $0x80, s7, s11, $0xb8;
	[tilespmem:$0x1E880] =	vst v63  }
0x8a: {  	_ =	swait.ge [sflag:s18], $0x2800  }
0x8b: {  	[sflag:s18] =	ssyncset.done $0x0  }
0x8c: {  	s22 =	rddreg [dreg:$0x13];
	[sflag:s18] =	ssyncadd.s32 $0xFFFFD800  }
0x8d: {  	[tilespmem:s12], [sflag:$0x1] =	stream.indirect.gather [hbm4b:s4+s11], $0x80, s22, s11, $0xb8;
	[tilespmem:$0x1E880] =	vst v63  }
0x8e: {  	_ =	swait.ge [sflag:s19], $0x2800  }
0x8f: {  	[sflag:s19] =	ssyncset.done $0x0  }
0x90: {  	s23 =	rddreg [dreg:$0x14];
	[sflag:s19] =	ssyncadd.s32 $0xFFFFD800  }
0x91: {  	[tilespmem:s13], [sflag:$0x2] =	stream.indirect.gather [hbm4b:s4+s11], $0x80, s23, s11, $0xb8;
	[tilespmem:$0x1E880] =	vst v63  }
0x92: {  	_ =	swait.ge [sflag:s20], $0x2800  }
0x93: {  	[sflag:s20] =	ssyncset.done $0x0  }
0x94: {  	s24 =	rddreg [dreg:$0x15];
	[sflag:s20] =	ssyncadd.s32 $0xFFFFD800  }
0x95: {  	[tilespmem:s14], [sflag:$0x3] =	stream.indirect.gather [hbm4b:s4+s11], $0x80, s24, s11, $0xb8;
	[tilespmem:$0x1E880] =	vst v63  }
0x96: {  	_ =	swait.ge [sflag:s21], $0x2800  }
0x97: {  	[sflag:s21] =	ssyncset.done $0x0  }
0x98: {  	s25 =	rddreg [dreg:$0x16];
	[sflag:s21] =	ssyncadd.s32 $0xFFFFD800  }
0x99: {  	[tilespmem:s15], [sflag:$0x4] =	stream.indirect.gather [hbm4b:s4+s11], $0x80, s25, s11, $0xb8;
	[tilespmem:$0x1E880] =	vst v63  }
0x9a: {  	_ =	swait.ge [sflag:s9], $0x2800  }
0x9b: {  	[sflag:s9] =	ssyncset.done $0x0  }
0x9c: {  	s1 =	rddreg [dreg:$0x17];
	[sflag:s9] =	ssyncadd.s32 $0xFFFFD800  }
0x9d: {  	[spmem:s2] =	stream.indirect.scatter.add.f32 [tilespmem:s12], [sflag:$0x5], $0x80, s1, s11, $0xb8;
	[tilespmem:$0x1E880] =	vst v63  }
0x9e: {  	_ =	swait.ge [sflag:s10], $0x2800  }
0x9f: {  	[sflag:s10] =	ssyncset.done $0x0  }
0xa0: {  	s7 =	rddreg [dreg:$0x18];
	[sflag:s10] =	ssyncadd.s32 $0xFFFFD800  }
0xa1: {  	[spmem:s2] =	stream.indirect.scatter.add.f32 [tilespmem:s13], [sflag:$0x6], $0x80, s7, s11, $0xb8;
	[tilespmem:$0x1E880] =	vst v63  }
0xa2: {  	_ =	swait.ge [sflag:s16], $0x2800  }
0xa3: {  	[sflag:s16] =	ssyncset.done $0x0  }
0xa4: {  	s22 =	rddreg [dreg:$0x19];
	[sflag:s16] =	ssyncadd.s32 $0xFFFFD800  }
0xa5: {  	[spmem:s2] =	stream.indirect.scatter.add.f32 [tilespmem:s14], [sflag:$0x7], $0x80, s22, s11, $0xb8;
	[tilespmem:$0x1E880] =	vst v63  }
0xa6: {  	_ =	swait.ge [sflag:s17], $0x2800  }
0xa7: {  	[sflag:s17] =	ssyncset.done $0x0  }
0xa8: {  	s23 =	rddreg [dreg:$0x1a];
	[sflag:s17] =	ssyncadd.s32 $0xFFFFD800  }
0xa9: {  	[spmem:s2] =	stream.indirect.scatter.add.f32 [tilespmem:s15], [sflag:$0x8], $0x80, s23, s11, $0xb8;
	[tilespmem:$0x1E880] =	vst v63  }
0xaa: {  	_ =	swait.ge [sflag:s18], $0x2800  }
0xab: {  	[sflag:s18] =	ssyncset.done $0x0  }
0xac: {  	s24 =	rddreg [dreg:$0x1b];
	[sflag:s18] =	ssyncadd.s32 $0xFFFFD800  }
0xad: {  	[tilespmem:s12], [sflag:$0x1] =	stream.indirect.gather [hbm4b:s4+s11], $0x80, s24, s11, $0xb8;
	[tilespmem:$0x1E880] =	vst v63  }
0xae: {  	_ =	swait.ge [sflag:s19], $0x2800  }
0xaf: {  	[sflag:s19] =	ssyncset.done $0x0  }
0xb0: {  	s25 =	rddreg [dreg:$0x1c];
	[sflag:s19] =	ssyncadd.s32 $0xFFFFD800  }
0xb1: {  	[tilespmem:s13], [sflag:$0x2] =	stream.indirect.gather [hbm4b:s4+s11], $0x80, s25, s11, $0xb8;
	[tilespmem:$0x1E880] =	vst v63  }
0xb2: {  	_ =	swait.ge [sflag:s20], $0x2800  }
0xb3: {  	[sflag:s20] =	ssyncset.done $0x0  }
0xb4: {  	s1 =	rddreg [dreg:$0x1d];
	[sflag:s20] =	ssyncadd.s32 $0xFFFFD800  }
0xb5: {  	[tilespmem:s14], [sflag:$0x3] =	stream.indirect.gather [hbm4b:s4+s11], $0x80, s1, s11, $0xb8;
	[tilespmem:$0x1E880] =	vst v63  }
0xb6: {  	_ =	swait.ge [sflag:s21], $0x2800  }
0xb7: {  	[sflag:s21] =	ssyncset.done $0x0  }
0xb8: {  	s7 =	rddreg [dreg:$0x1e];
	[sflag:s21] =	ssyncadd.s32 $0xFFFFD800  }
0xb9: {  	[tilespmem:s15], [sflag:$0x4] =	stream.indirect.gather [hbm4b:s4+s11], $0x80, s7, s11, $0xb8;
	[tilespmem:$0x1E880] =	vst v63  }
0xba: {  	_ =	swait.ge [sflag:s9], $0x2800  }
0xbb: {  	[sflag:s9] =	ssyncset.done $0x0  }
0xbc: {  	s22 =	rddreg [dreg:$0x1f];
	[sflag:s9] =	ssyncadd.s32 $0xFFFFD800  }
0xbd: {  	[spmem:s2] =	stream.indirect.scatter.add.f32 [tilespmem:s12], [sflag:$0x5], $0x80, s22, s11, $0xb8;
	[tilespmem:$0x1E880] =	vst v63  }
0xbe: {  	_ =	swait.ge [sflag:s10], $0x2800  }
0xbf: {  	s23 =	sld [smem:$0x7F3]  }
0xc0: {  	[sflag:s10] =	ssyncset.done $0x0  }
0xc1: {  	[sflag:s10] =	ssyncadd.s32 $0xFFFFD800  }
0xc2: {  	[spmem:s2] =	stream.indirect.scatter.add.f32 [tilespmem:s13], [sflag:$0x6], $0x80, s23, s11, $0xb8;
	[tilespmem:$0x1E880] =	vst v63  }
0xc3: {  	_ =	swait.ge [sflag:s16], $0x2800  }
0xc4: {  	s24 =	sld [smem:$0x7F4]  }
0xc5: {  	[sflag:s16] =	ssyncset.done $0x0  }
0xc6: {  	[sflag:s16] =	ssyncadd.s32 $0xFFFFD800  }
0xc7: {  	[spmem:s2] =	stream.indirect.scatter.add.f32 [tilespmem:s14], [sflag:$0x7], $0x80, s24, s11, $0xb8;
	[tilespmem:$0x1E880] =	vst v63  }
0xc8: {  	_ =	swait.ge [sflag:s17], $0x2800  }
0xc9: {  	s25 =	sld [smem:$0x7F5]  }
0xca: {  	[sflag:s17] =	ssyncset.done $0x0  }
0xcb: {  	[sflag:s17] =	ssyncadd.s32 $0xFFFFD800  }
0xcc: {  	[spmem:s2] =	stream.indirect.scatter.add.f32 [tilespmem:s15], [sflag:$0x8], $0x80, s25, s11, $0xb8;
	[tilespmem:$0x1E880] =	vst v63  }
0xcd: {  	_ =	swait.ge [sflag:s18], $0x2800  }
0xce: {  	s1 =	sld [smem:$0x7F6]  }
0xcf: {  	[sflag:s18] =	ssyncset.done $0x0  }
0xd0: {  	[sflag:s18] =	ssyncadd.s32 $0xFFFFD800  }
0xd1: {  	[tilespmem:s12], [sflag:$0x1] =	stream.indirect.gather [hbm4b:s4+s11], $0x80, s1, s11, $0xb8;
	[tilespmem:$0x1E880] =	vst v63  }
0xd2: {  	_ =	swait.ge [sflag:s19], $0x2800  }
0xd3: {  	s7 =	sld [smem:$0x7F7]  }
0xd4: {  	[sflag:s19] =	ssyncset.done $0x0  }
0xd5: {  	[sflag:s19] =	ssyncadd.s32 $0xFFFFD800  }
0xd6: {  	[tilespmem:s13], [sflag:$0x2] =	stream.indirect.gather [hbm4b:s4+s11], $0x80, s7, s11, $0xb8;
	[tilespmem:$0x1E880] =	vst v63  }
0xd7: {  	_ =	swait.ge [sflag:s20], $0x2800  }
0xd8: {  	s22 =	sld [smem:$0x7F8]  }
0xd9: {  	[sflag:s20] =	ssyncset.done $0x0  }
0xda: {  	[sflag:s20] =	ssyncadd.s32 $0xFFFFD800  }
0xdb: {  	[tilespmem:s14], [sflag:$0x3] =	stream.indirect.gather [hbm4b:s4+s11], $0x80, s22, s11, $0xb8;
	[tilespmem:$0x1E880] =	vst v63  }
0xdc: {  	_ =	swait.ge [sflag:s21], $0x2800  }
0xdd: {  	s23 =	sld [smem:$0x7F9]  }
0xde: {  	[sflag:s21] =	ssyncset.done $0x0  }
0xdf: {  	[sflag:s21] =	ssyncadd.s32 $0xFFFFD800  }
0xe0: {  	[tilespmem:s15], [sflag:$0x4] =	stream.indirect.gather [hbm4b:s4+s11], $0x80, s23, s11, $0xb8;
	[tilespmem:$0x1E880] =	vst v63  }
0xe1: {  	_ =	swait.ge [sflag:s9], $0x2800  }
0xe2: {  	s24 =	sld [smem:$0x7FA]  }
0xe3: {  	[sflag:s9] =	ssyncset.done $0x0  }
0xe4: {  	[sflag:s9] =	ssyncadd.s32 $0xFFFFD800  }
0xe5: {  	[spmem:s2] =	stream.indirect.scatter.add.f32 [tilespmem:s12], [sflag:$0x5], $0x80, s24, s11, $0xb8;
	[tilespmem:$0x1E880] =	vst v63  }
0xe6: {  	_ =	swait.ge [sflag:s10], $0x2800  }
0xe7: {  	s25 =	sld [smem:$0x7FB]  }
0xe8: {  	[sflag:s10] =	ssyncset.done $0x0  }
0xe9: {  	[sflag:s10] =	ssyncadd.s32 $0xFFFFD800  }
0xea: {  	[spmem:s2] =	stream.indirect.scatter.add.f32 [tilespmem:s13], [sflag:$0x6], $0x80, s25, s11, $0xb8;
	[tilespmem:$0x1E880] =	vst v63  }
0xeb: {  	_ =	swait.ge [sflag:s16], $0x2800  }
0xec: {  	s1 =	sld [smem:$0x7FC]  }
0xed: {  	[sflag:s16] =	ssyncset.done $0x0  }
0xee: {  	[sflag:s16] =	ssyncadd.s32 $0xFFFFD800  }
0xef: {  	[spmem:s2] =	stream.indirect.scatter.add.f32 [tilespmem:s14], [sflag:$0x7], $0x80, s1, s11, $0xb8;
	[tilespmem:$0x1E880] =	vst v63  }
0xf0: {  	_ =	swait.ge [sflag:s17], $0x2800  }
0xf1: {  	s7 =	sld [smem:$0x7FD]  }
0xf2: {  	[sflag:s17] =	ssyncset.done $0x0  }
0xf3: {  	[sflag:s17] =	ssyncadd.s32 $0xFFFFD800  }
0xf4: {  	[spmem:s2] =	stream.indirect.scatter.add.f32 [tilespmem:s15], [sflag:$0x8], $0x80, s7, s11, $0xb8;
	[tilespmem:$0x1E880] =	vst v63  }
0xf5: {  	_ =	swait.ge [sflag:s18], $0x2800  }
0xf6: {  	[sflag:s18] =	ssyncset.done $0x0  }
0xf7: {  	[sflag:s18] =	ssyncadd.s32 $0xFFFFD800  }
0xf8: {  	[tilespmem:s12], [sflag:$0x1] =	stream.indirect.gather [hbm4b:s4+s11], $0x80, s26, s11, $0xb8;
	[tilespmem:$0x1E880] =	vst v63  }
0xf9: {  	_ =	swait.ge [sflag:s19], $0x2800  }
0xfa: {  	[sflag:s19] =	ssyncset.done $0x0  }
0xfb: {  	s25 =	simm.s32 $0x690;
	[sflag:s19] =	ssyncadd.s32 $0xFFFFD800  }
0xfc: {  	[tilespmem:s13], [sflag:$0x2] =	stream.indirect.gather [hbm4b:s4+s11], $0x80, s25, s11, $0xb8;
	[tilespmem:$0x1E880] =	vst v63  }
0xfd: {  	_ =	swait.ge [sflag:s20], $0x2800  }
0xfe: {  	[sflag:s20] =	ssyncset.done $0x0  }
0xff: {  	s22 =	simm.s32 $0x6E0;
	[sflag:s20] =	ssyncadd.s32 $0xFFFFD800  }
0x100: {  	[tilespmem:s14], [sflag:$0x3] =	stream.indirect.gather [hbm4b:s4+s11], $0x80, s22, s11, $0xb8;
	[tilespmem:$0x1E880] =	vst v63  }
0x101: {  	_ =	swait.ge [sflag:s21], $0x2800  }
0x102: {  	[sflag:s21] =	ssyncset.done $0x0  }
0x103: {  	s23 =	simm.s32 $0x730;
	[sflag:s21] =	ssyncadd.s32 $0xFFFFD800  }
0x104: {  	[tilespmem:s15], [sflag:$0x4] =	stream.indirect.gather [hbm4b:s4+s11], $0x80, s23, s11, $0xb8;
	[tilespmem:$0x1E880] =	vst v63  }
0x105: {  	_ =	swait.ge [sflag:s9], $0x2800  }
0x106: {  	[sflag:s9] =	ssyncset.done $0x0  }
0x107: {  	[sflag:s9] =	ssyncadd.s32 $0xFFFFD800  }
0x108: {  	[spmem:s2] =	stream.indirect.scatter.add.f32 [tilespmem:s12], [sflag:$0x5], $0x80, s28, s11, $0xb8;
	[tilespmem:$0x1E880] =	vst v63  }
0x109: {  	_ =	swait.ge [sflag:s10], $0x2800  }
0x10a: {  	[sflag:s10] =	ssyncset.done $0x0  }
0x10b: {  	[sflag:s10] =	ssyncadd.s32 $0xFFFFD800  }
0x10c: {  	[spmem:s2] =	stream.indirect.scatter.add.f32 [tilespmem:s13], [sflag:$0x6], $0x80, s29, s11, $0xb8;
	[tilespmem:$0x1E880] =	vst v63  }
0x10d: {  	_ =	swait.ge [sflag:s16], $0x2800  }
0x10e: {  	[sflag:s16] =	ssyncset.done $0x0  }
0x10f: {  	[sflag:s16] =	ssyncadd.s32 $0xFFFFD800  }
0x110: {  	[spmem:s2] =	stream.indirect.scatter.add.f32 [tilespmem:s14], [sflag:$0x7], $0x80, s30, s11, $0xb8;
	[tilespmem:$0x1E880] =	vst v63  }
0x111: {  	_ =	swait.ge [sflag:s17], $0x2800  }
0x112: {  	[sflag:s17] =	ssyncset.done $0x0  }
0x113: {  	[sflag:s17] =	ssyncadd.s32 $0xFFFFD800  }
0x114: {  	[spmem:s2] =	stream.indirect.scatter.add.f32 [tilespmem:s15], [sflag:$0x8], $0x80, s31, s11, $0xb8;
	[tilespmem:$0x1E880] =	vst v63  }
0x115: {  	_ =	swait.ge [sflag:s18], $0x2800  }
0x116: {  	[sflag:s18] =	ssyncset.done $0x0  }
0x117: {  	s1 =	simm.s32 $0x780;
	[sflag:s18] =	ssyncadd.s32 $0xFFFFD800  }
0x118: {  	[tilespmem:s12], [sflag:$0x1] =	stream.indirect.gather [hbm4b:s4+s11], $0x80, s1, s11, $0xb8;
	[tilespmem:$0x1E880] =	vst v63  }
0x119: {  	_ =	swait.ge [sflag:s9], $0x2800  }
0x11a: {  	[sflag:s9] =	ssyncset.done $0x0  }
0x11b: {  	s24 =	simm.s32 $0xF80;
	[sflag:s9] =	ssyncadd.s32 $0xFFFFD800  }
0x11c: {  	[spmem:s2] =	stream.indirect.scatter.add.f32 [tilespmem:s12], [sflag:$0x5], $0x80, s24, s11, $0xb8;
	[tilespmem:$0x1E880] =	vst v63  }
0x11d: {  	_ =	swait.ge [sflag:s18], $0x2800  }
0x11e: {  	[sflag:s18] =	ssyncset.done $0x0  }
0x11f: {  	[sflag:s18] =	ssyncadd.s32 $0xFFFFD800  }
0x120: {  	_ =	swait.ge [sflag:s19], $0x2800  }
0x121: {  	[sflag:s19] =	ssyncset.done $0x0  }
0x122: {  	[sflag:s19] =	ssyncadd.s32 $0xFFFFD800  }
0x123: {  	_ =	swait.ge [sflag:s20], $0x2800  }
0x124: {  	[sflag:s20] =	ssyncset.done $0x0  }
0x125: {  	[sflag:s20] =	ssyncadd.s32 $0xFFFFD800  }
0x126: {  	s6 =	simm.s32 $0xFA;
	_ =	swait.ge [sflag:s21], $0x2800  }
0x127: {  	s7 =	simm.s32 $0x1F4;
	s22 =	rddreg [dreg:$0x5];
	[sflag:s21] =	ssyncset.done $0x0  }
.LBB2_4:
0x128: {  	[sflag:s21] =	ssyncadd.s32 $0xFFFFD800;
	s24 =	rddreg [dreg:$0x4];
	s22 =	sadd.s32 s6, s22  }
0x129: {  	[tilespmem:s3], [sflag:$0x1] =	stream.linear.gather [hbm4b:s22+s3], $0x7D0, $0x38;
	[tilespmem:$0x1E880] =	vst v63  }
0x12a: {  	s22 =	sadd.s32 s6, s24  }
0x12b: {  	[tilespmem:s8], [sflag:$0x2] =	stream.linear.gather [hbm4b:s22+s3], $0x7D0, $0x38;
	[tilespmem:$0x1E880] =	vst v63  }
0x12c: {  	_ =	swait.ge [sflag:s9], $0x7D0  }
0x12d: {  	[sflag:s9] =	ssyncset.done $0x0  }
0x12e: {  	[sflag:s9] =	ssyncadd.s32 $0xFFFFF830  }
0x12f: {  	_ =	swait.ge [sflag:s10], $0x7D0  }
0x130: {  	[sflag:s10] =	ssyncset.done $0x0  }
0x131: {  	[sflag:s10] =	ssyncadd.s32 $0xFFFFF830  }
0x132: {  	[tilespmem:s12], [sflag:$0x1] =	stream.indirect.gather [hbm4b:s4+s11], $0x80, s3, s11, $0xb8;
	[tilespmem:$0x1E880] =	vst v63  }
0x133: {  	_ = 	snop  }
0x134: {  	[tilespmem:s13], [sflag:$0x2] =	stream.indirect.gather [hbm4b:s4+s11], $0x80, s11, s11, $0xb8;
	[tilespmem:$0x1E880] =	vst v63  }
0x135: {  	s23 =	smov.u32 s7;
	s22 =	rddreg [dreg:$0x6]  }
0x136: {  	[tilespmem:s14], [sflag:$0x3] =	stream.indirect.gather [hbm4b:s4+s11], $0x80, s22, s11, $0xb8;
	[tilespmem:$0x1E880] =	vst v63  }
0x137: {  	s6 =	smov.u32 s23;
	s23 =	rddreg [dreg:$0x7]  }
0x138: {  	[tilespmem:s15], [sflag:$0x4] =	stream.indirect.gather [hbm4b:s4+s11], $0x80, s23, s11, $0xb8;
	[tilespmem:$0x1E880] =	vst v63  }
0x139: {  	_ =	swait.ge [sflag:s9], $0x2800  }
0x13a: {  	[sflag:s9] =	ssyncset.done $0x0  }
0x13b: {  	[sflag:s9] =	ssyncadd.s32 $0xFFFFD800  }
0x13c: {  	[spmem:s2] =	stream.indirect.scatter.add.f32 [tilespmem:s12], [sflag:$0x5], $0x80, s8, s11, $0xb8;
	[tilespmem:$0x1E880] =	vst v63  }
0x13d: {  	_ =	swait.ge [sflag:s10], $0x2800  }
0x13e: {  	[sflag:s10] =	ssyncset.done $0x0  }
0x13f: {  	s22 =	rddreg [dreg:$0x8];
	[sflag:s10] =	ssyncadd.s32 $0xFFFFD800  }
0x140: {  	[spmem:s2] =	stream.indirect.scatter.add.f32 [tilespmem:s13], [sflag:$0x6], $0x80, s22, s11, $0xb8;
	[tilespmem:$0x1E880] =	vst v63  }
0x141: {  	_ =	swait.ge [sflag:s16], $0x2800  }
0x142: {  	[sflag:s16] =	ssyncset.done $0x0  }
0x143: {  	s22 =	rddreg [dreg:$0x9];
	[sflag:s16] =	ssyncadd.s32 $0xFFFFD800  }
0x144: {  	[spmem:s2] =	stream.indirect.scatter.add.f32 [tilespmem:s14], [sflag:$0x7], $0x80, s22, s11, $0xb8;
	[tilespmem:$0x1E880] =	vst v63  }
0x145: {  	_ =	swait.ge [sflag:s17], $0x2800  }
0x146: {  	[sflag:s17] =	ssyncset.done $0x0  }
0x147: {  	s22 =	rddreg [dreg:$0xa];
	[sflag:s17] =	ssyncadd.s32 $0xFFFFD800  }
0x148: {  	[spmem:s2] =	stream.indirect.scatter.add.f32 [tilespmem:s15], [sflag:$0x8], $0x80, s22, s11, $0xb8;
	[tilespmem:$0x1E880] =	vst v63  }
0x149: {  	_ =	swait.ge [sflag:s18], $0x2800  }
0x14a: {  	[sflag:s18] =	ssyncset.done $0x0  }
0x14b: {  	s22 =	rddreg [dreg:$0xb];
	[sflag:s18] =	ssyncadd.s32 $0xFFFFD800  }
0x14c: {  	[tilespmem:s12], [sflag:$0x1] =	stream.indirect.gather [hbm4b:s4+s11], $0x80, s22, s11, $0xb8;
	[tilespmem:$0x1E880] =	vst v63  }
0x14d: {  	_ =	swait.ge [sflag:s19], $0x2800  }
0x14e: {  	[sflag:s19] =	ssyncset.done $0x0  }
0x14f: {  	s22 =	rddreg [dreg:$0xc];
	[sflag:s19] =	ssyncadd.s32 $0xFFFFD800  }
0x150: {  	[tilespmem:s13], [sflag:$0x2] =	stream.indirect.gather [hbm4b:s4+s11], $0x80, s22, s11, $0xb8;
	[tilespmem:$0x1E880] =	vst v63  }
0x151: {  	_ =	swait.ge [sflag:s20], $0x2800  }
0x152: {  	[sflag:s20] =	ssyncset.done $0x0  }
0x153: {  	s22 =	rddreg [dreg:$0xd];
	[sflag:s20] =	ssyncadd.s32 $0xFFFFD800  }
0x154: {  	[tilespmem:s14], [sflag:$0x3] =	stream.indirect.gather [hbm4b:s4+s11], $0x80, s22, s11, $0xb8;
	[tilespmem:$0x1E880] =	vst v63  }
0x155: {  	_ =	swait.ge [sflag:s21], $0x2800  }
0x156: {  	[sflag:s21] =	ssyncset.done $0x0  }
0x157: {  	s22 =	rddreg [dreg:$0xe];
	[sflag:s21] =	ssyncadd.s32 $0xFFFFD800  }
0x158: {  	[tilespmem:s15], [sflag:$0x4] =	stream.indirect.gather [hbm4b:s4+s11], $0x80, s22, s11, $0xb8;
	[tilespmem:$0x1E880] =	vst v63  }
0x159: {  	_ =	swait.ge [sflag:s9], $0x2800  }
0x15a: {  	[sflag:s9] =	ssyncset.done $0x0  }
0x15b: {  	s22 =	rddreg [dreg:$0xf];
	[sflag:s9] =	ssyncadd.s32 $0xFFFFD800  }
0x15c: {  	[spmem:s2] =	stream.indirect.scatter.add.f32 [tilespmem:s12], [sflag:$0x5], $0x80, s22, s11, $0xb8;
	[tilespmem:$0x1E880] =	vst v63  }
0x15d: {  	_ =	swait.ge [sflag:s10], $0x2800  }
0x15e: {  	[sflag:s10] =	ssyncset.done $0x0  }
0x15f: {  	s22 =	rddreg [dreg:$0x10];
	[sflag:s10] =	ssyncadd.s32 $0xFFFFD800  }
0x160: {  	[spmem:s2] =	stream.indirect.scatter.add.f32 [tilespmem:s13], [sflag:$0x6], $0x80, s22, s11, $0xb8;
	[tilespmem:$0x1E880] =	vst v63  }
0x161: {  	_ =	swait.ge [sflag:s16], $0x2800  }
0x162: {  	[sflag:s16] =	ssyncset.done $0x0  }
0x163: {  	s22 =	rddreg [dreg:$0x11];
	[sflag:s16] =	ssyncadd.s32 $0xFFFFD800  }
0x164: {  	[spmem:s2] =	stream.indirect.scatter.add.f32 [tilespmem:s14], [sflag:$0x7], $0x80, s22, s11, $0xb8;
	[tilespmem:$0x1E880] =	vst v63  }
0x165: {  	_ =	swait.ge [sflag:s17], $0x2800  }
0x166: {  	[sflag:s17] =	ssyncset.done $0x0  }
0x167: {  	s22 =	rddreg [dreg:$0x12];
	[sflag:s17] =	ssyncadd.s32 $0xFFFFD800  }
0x168: {  	[spmem:s2] =	stream.indirect.scatter.add.f32 [tilespmem:s15], [sflag:$0x8], $0x80, s22, s11, $0xb8;
	[tilespmem:$0x1E880] =	vst v63  }
0x169: {  	_ =	swait.ge [sflag:s18], $0x2800  }
0x16a: {  	[sflag:s18] =	ssyncset.done $0x0  }
0x16b: {  	s22 =	rddreg [dreg:$0x13];
	[sflag:s18] =	ssyncadd.s32 $0xFFFFD800  }
0x16c: {  	[tilespmem:s12], [sflag:$0x1] =	stream.indirect.gather [hbm4b:s4+s11], $0x80, s22, s11, $0xb8;
	[tilespmem:$0x1E880] =	vst v63  }
0x16d: {  	_ =	swait.ge [sflag:s19], $0x2800  }
0x16e: {  	[sflag:s19] =	ssyncset.done $0x0  }
0x16f: {  	s22 =	rddreg [dreg:$0x14];
	[sflag:s19] =	ssyncadd.s32 $0xFFFFD800  }
0x170: {  	[tilespmem:s13], [sflag:$0x2] =	stream.indirect.gather [hbm4b:s4+s11], $0x80, s22, s11, $0xb8;
	[tilespmem:$0x1E880] =	vst v63  }
0x171: {  	_ =	swait.ge [sflag:s20], $0x2800  }
0x172: {  	[sflag:s20] =	ssyncset.done $0x0  }
0x173: {  	s22 =	rddreg [dreg:$0x15];
	[sflag:s20] =	ssyncadd.s32 $0xFFFFD800  }
0x174: {  	[tilespmem:s14], [sflag:$0x3] =	stream.indirect.gather [hbm4b:s4+s11], $0x80, s22, s11, $0xb8;
	[tilespmem:$0x1E880] =	vst v63  }
0x175: {  	_ =	swait.ge [sflag:s21], $0x2800  }
0x176: {  	[sflag:s21] =	ssyncset.done $0x0  }
0x177: {  	s22 =	rddreg [dreg:$0x16];
	[sflag:s21] =	ssyncadd.s32 $0xFFFFD800  }
0x178: {  	[tilespmem:s15], [sflag:$0x4] =	stream.indirect.gather [hbm4b:s4+s11], $0x80, s22, s11, $0xb8;
	[tilespmem:$0x1E880] =	vst v63  }
0x179: {  	_ =	swait.ge [sflag:s9], $0x2800  }
0x17a: {  	[sflag:s9] =	ssyncset.done $0x0  }
0x17b: {  	s22 =	rddreg [dreg:$0x17];
	[sflag:s9] =	ssyncadd.s32 $0xFFFFD800  }
0x17c: {  	[spmem:s2] =	stream.indirect.scatter.add.f32 [tilespmem:s12], [sflag:$0x5], $0x80, s22, s11, $0xb8;
	[tilespmem:$0x1E880] =	vst v63  }
0x17d: {  	_ =	swait.ge [sflag:s10], $0x2800  }
0x17e: {  	[sflag:s10] =	ssyncset.done $0x0  }
0x17f: {  	s22 =	rddreg [dreg:$0x18];
	[sflag:s10] =	ssyncadd.s32 $0xFFFFD800  }
0x180: {  	[spmem:s2] =	stream.indirect.scatter.add.f32 [tilespmem:s13], [sflag:$0x6], $0x80, s22, s11, $0xb8;
	[tilespmem:$0x1E880] =	vst v63  }
0x181: {  	_ =	swait.ge [sflag:s16], $0x2800  }
0x182: {  	[sflag:s16] =	ssyncset.done $0x0  }
0x183: {  	s22 =	rddreg [dreg:$0x19];
	[sflag:s16] =	ssyncadd.s32 $0xFFFFD800  }
0x184: {  	[spmem:s2] =	stream.indirect.scatter.add.f32 [tilespmem:s14], [sflag:$0x7], $0x80, s22, s11, $0xb8;
	[tilespmem:$0x1E880] =	vst v63  }
0x185: {  	_ =	swait.ge [sflag:s17], $0x2800  }
0x186: {  	[sflag:s17] =	ssyncset.done $0x0  }
0x187: {  	s22 =	rddreg [dreg:$0x1a];
	[sflag:s17] =	ssyncadd.s32 $0xFFFFD800  }
0x188: {  	[spmem:s2] =	stream.indirect.scatter.add.f32 [tilespmem:s15], [sflag:$0x8], $0x80, s22, s11, $0xb8;
	[tilespmem:$0x1E880] =	vst v63  }
0x189: {  	_ =	swait.ge [sflag:s18], $0x2800  }
0x18a: {  	[sflag:s18] =	ssyncset.done $0x0  }
0x18b: {  	s22 =	rddreg [dreg:$0x1b];
	[sflag:s18] =	ssyncadd.s32 $0xFFFFD800  }
0x18c: {  	[tilespmem:s12], [sflag:$0x1] =	stream.indirect.gather [hbm4b:s4+s11], $0x80, s22, s11, $0xb8;
	[tilespmem:$0x1E880] =	vst v63  }
0x18d: {  	_ =	swait.ge [sflag:s19], $0x2800  }
0x18e: {  	[sflag:s19] =	ssyncset.done $0x0  }
0x18f: {  	s22 =	rddreg [dreg:$0x1c];
	[sflag:s19] =	ssyncadd.s32 $0xFFFFD800  }
0x190: {  	[tilespmem:s13], [sflag:$0x2] =	stream.indirect.gather [hbm4b:s4+s11], $0x80, s22, s11, $0xb8;
	[tilespmem:$0x1E880] =	vst v63  }
0x191: {  	_ =	swait.ge [sflag:s20], $0x2800  }
0x192: {  	[sflag:s20] =	ssyncset.done $0x0  }
0x193: {  	s22 =	rddreg [dreg:$0x1d];
	[sflag:s20] =	ssyncadd.s32 $0xFFFFD800  }
0x194: {  	[tilespmem:s14], [sflag:$0x3] =	stream.indirect.gather [hbm4b:s4+s11], $0x80, s22, s11, $0xb8;
	[tilespmem:$0x1E880] =	vst v63  }
0x195: {  	_ =	swait.ge [sflag:s21], $0x2800  }
0x196: {  	[sflag:s21] =	ssyncset.done $0x0  }
0x197: {  	s22 =	rddreg [dreg:$0x1e];
	[sflag:s21] =	ssyncadd.s32 $0xFFFFD800  }
0x198: {  	[tilespmem:s15], [sflag:$0x4] =	stream.indirect.gather [hbm4b:s4+s11], $0x80, s22, s11, $0xb8;
	[tilespmem:$0x1E880] =	vst v63  }
0x199: {  	_ =	swait.ge [sflag:s9], $0x2800  }
0x19a: {  	[sflag:s9] =	ssyncset.done $0x0  }
0x19b: {  	s22 =	rddreg [dreg:$0x1f];
	[sflag:s9] =	ssyncadd.s32 $0xFFFFD800  }
0x19c: {  	[spmem:s2] =	stream.indirect.scatter.add.f32 [tilespmem:s12], [sflag:$0x5], $0x80, s22, s11, $0xb8;
	[tilespmem:$0x1E880] =	vst v63  }
0x19d: {  	_ =	swait.ge [sflag:s10], $0x2800  }
0x19e: {  	s22 =	sld [smem:$0x7F3]  }
0x19f: {  	[sflag:s10] =	ssyncset.done $0x0  }
0x1a0: {  	[sflag:s10] =	ssyncadd.s32 $0xFFFFD800  }
0x1a1: {  	[spmem:s2] =	stream.indirect.scatter.add.f32 [tilespmem:s13], [sflag:$0x6], $0x80, s22, s11, $0xb8;
	[tilespmem:$0x1E880] =	vst v63  }
0x1a2: {  	_ =	swait.ge [sflag:s16], $0x2800  }
0x1a3: {  	s22 =	sld [smem:$0x7F4]  }
0x1a4: {  	[sflag:s16] =	ssyncset.done $0x0  }
0x1a5: {  	[sflag:s16] =	ssyncadd.s32 $0xFFFFD800  }
0x1a6: {  	[spmem:s2] =	stream.indirect.scatter.add.f32 [tilespmem:s14], [sflag:$0x7], $0x80, s22, s11, $0xb8;
	[tilespmem:$0x1E880] =	vst v63  }
0x1a7: {  	_ =	swait.ge [sflag:s17], $0x2800  }
0x1a8: {  	s22 =	sld [smem:$0x7F5]  }
0x1a9: {  	[sflag:s17] =	ssyncset.done $0x0  }
0x1aa: {  	[sflag:s17] =	ssyncadd.s32 $0xFFFFD800  }
0x1ab: {  	[spmem:s2] =	stream.indirect.scatter.add.f32 [tilespmem:s15], [sflag:$0x8], $0x80, s22, s11, $0xb8;
	[tilespmem:$0x1E880] =	vst v63  }
0x1ac: {  	_ =	swait.ge [sflag:s18], $0x2800  }
0x1ad: {  	s22 =	sld [smem:$0x7F6]  }
0x1ae: {  	[sflag:s18] =	ssyncset.done $0x0  }
0x1af: {  	[sflag:s18] =	ssyncadd.s32 $0xFFFFD800  }
0x1b0: {  	[tilespmem:s12], [sflag:$0x1] =	stream.indirect.gather [hbm4b:s4+s11], $0x80, s22, s11, $0xb8;
	[tilespmem:$0x1E880] =	vst v63  }
0x1b1: {  	_ =	swait.ge [sflag:s19], $0x2800  }
0x1b2: {  	s22 =	sld [smem:$0x7F7]  }
0x1b3: {  	[sflag:s19] =	ssyncset.done $0x0  }
0x1b4: {  	[sflag:s19] =	ssyncadd.s32 $0xFFFFD800  }
0x1b5: {  	[tilespmem:s13], [sflag:$0x2] =	stream.indirect.gather [hbm4b:s4+s11], $0x80, s22, s11, $0xb8;
	[tilespmem:$0x1E880] =	vst v63  }
0x1b6: {  	_ =	swait.ge [sflag:s20], $0x2800  }
0x1b7: {  	s22 =	sld [smem:$0x7F8]  }
0x1b8: {  	[sflag:s20] =	ssyncset.done $0x0  }
0x1b9: {  	[sflag:s20] =	ssyncadd.s32 $0xFFFFD800  }
0x1ba: {  	[tilespmem:s14], [sflag:$0x3] =	stream.indirect.gather [hbm4b:s4+s11], $0x80, s22, s11, $0xb8;
	[tilespmem:$0x1E880] =	vst v63  }
0x1bb: {  	_ =	swait.ge [sflag:s21], $0x2800  }
0x1bc: {  	s22 =	sld [smem:$0x7F9]  }
0x1bd: {  	[sflag:s21] =	ssyncset.done $0x0  }
0x1be: {  	[sflag:s21] =	ssyncadd.s32 $0xFFFFD800  }
0x1bf: {  	[tilespmem:s15], [sflag:$0x4] =	stream.indirect.gather [hbm4b:s4+s11], $0x80, s22, s11, $0xb8;
	[tilespmem:$0x1E880] =	vst v63  }
0x1c0: {  	_ =	swait.ge [sflag:s9], $0x2800  }
0x1c1: {  	s22 =	sld [smem:$0x7FA]  }
0x1c2: {  	[sflag:s9] =	ssyncset.done $0x0  }
0x1c3: {  	[sflag:s9] =	ssyncadd.s32 $0xFFFFD800  }
0x1c4: {  	[spmem:s2] =	stream.indirect.scatter.add.f32 [tilespmem:s12], [sflag:$0x5], $0x80, s22, s11, $0xb8;
	[tilespmem:$0x1E880] =	vst v63  }
0x1c5: {  	_ =	swait.ge [sflag:s10], $0x2800  }
0x1c6: {  	s22 =	sld [smem:$0x7FB]  }
0x1c7: {  	[sflag:s10] =	ssyncset.done $0x0  }
0x1c8: {  	[sflag:s10] =	ssyncadd.s32 $0xFFFFD800  }
0x1c9: {  	[spmem:s2] =	stream.indirect.scatter.add.f32 [tilespmem:s13], [sflag:$0x6], $0x80, s22, s11, $0xb8;
	[tilespmem:$0x1E880] =	vst v63  }
0x1ca: {  	_ =	swait.ge [sflag:s16], $0x2800  }
0x1cb: {  	s22 =	sld [smem:$0x7FC]  }
0x1cc: {  	[sflag:s16] =	ssyncset.done $0x0  }
0x1cd: {  	[sflag:s16] =	ssyncadd.s32 $0xFFFFD800  }
0x1ce: {  	[spmem:s2] =	stream.indirect.scatter.add.f32 [tilespmem:s14], [sflag:$0x7], $0x80, s22, s11, $0xb8;
	[tilespmem:$0x1E880] =	vst v63  }
0x1cf: {  	_ =	swait.ge [sflag:s17], $0x2800  }
0x1d0: {  	s22 =	sld [smem:$0x7FD]  }
0x1d1: {  	[sflag:s17] =	ssyncset.done $0x0  }
0x1d2: {  	[sflag:s17] =	ssyncadd.s32 $0xFFFFD800  }
0x1d3: {  	[spmem:s2] =	stream.indirect.scatter.add.f32 [tilespmem:s15], [sflag:$0x8], $0x80, s22, s11, $0xb8;
	[tilespmem:$0x1E880] =	vst v63  }
0x1d4: {  	_ =	swait.ge [sflag:s18], $0x2800  }
0x1d5: {  	[sflag:s18] =	ssyncset.done $0x0  }
0x1d6: {  	[sflag:s18] =	ssyncadd.s32 $0xFFFFD800  }
0x1d7: {  	[tilespmem:s12], [sflag:$0x1] =	stream.indirect.gather [hbm4b:s4+s11], $0x80, s26, s11, $0xb8;
	[tilespmem:$0x1E880] =	vst v63  }
0x1d8: {  	_ =	swait.ge [sflag:s19], $0x2800  }
0x1d9: {  	[sflag:s19] =	ssyncset.done $0x0  }
0x1da: {  	[sflag:s19] =	ssyncadd.s32 $0xFFFFD800  }
0x1db: {  	[tilespmem:s13], [sflag:$0x2] =	stream.indirect.gather [hbm4b:s4+s11], $0x80, s25, s11, $0xb8;
	[tilespmem:$0x1E880] =	vst v63  }
0x1dc: {  	_ =	swait.ge [sflag:s20], $0x2800  }
0x1dd: {  	[sflag:s20] =	ssyncset.done $0x0  }
0x1de: {  	s23 =	simm.s32 $0x6E0;
	[sflag:s20] =	ssyncadd.s32 $0xFFFFD800  }
0x1df: {  	[tilespmem:s14], [sflag:$0x3] =	stream.indirect.gather [hbm4b:s4+s11], $0x80, s23, s11, $0xb8;
	[tilespmem:$0x1E880] =	vst v63  }
0x1e0: {  	_ =	swait.ge [sflag:s21], $0x2800  }
0x1e1: {  	[sflag:s21] =	ssyncset.done $0x0  }
0x1e2: {  	s24 =	simm.s32 $0x730;
	[sflag:s21] =	ssyncadd.s32 $0xFFFFD800  }
0x1e3: {  	[tilespmem:s15], [sflag:$0x4] =	stream.indirect.gather [hbm4b:s4+s11], $0x80, s24, s11, $0xb8;
	[tilespmem:$0x1E880] =	vst v63  }
0x1e4: {  	_ =	swait.ge [sflag:s9], $0x2800  }
0x1e5: {  	[sflag:s9] =	ssyncset.done $0x0  }
0x1e6: {  	[sflag:s9] =	ssyncadd.s32 $0xFFFFD800  }
0x1e7: {  	[spmem:s2] =	stream.indirect.scatter.add.f32 [tilespmem:s12], [sflag:$0x5], $0x80, s28, s11, $0xb8;
	[tilespmem:$0x1E880] =	vst v63  }
0x1e8: {  	_ =	swait.ge [sflag:s10], $0x2800  }
0x1e9: {  	[sflag:s10] =	ssyncset.done $0x0  }
0x1ea: {  	[sflag:s10] =	ssyncadd.s32 $0xFFFFD800  }
0x1eb: {  	[spmem:s2] =	stream.indirect.scatter.add.f32 [tilespmem:s13], [sflag:$0x6], $0x80, s29, s11, $0xb8;
	[tilespmem:$0x1E880] =	vst v63  }
0x1ec: {  	_ =	swait.ge [sflag:s16], $0x2800  }
0x1ed: {  	[sflag:s16] =	ssyncset.done $0x0  }
0x1ee: {  	[sflag:s16] =	ssyncadd.s32 $0xFFFFD800  }
0x1ef: {  	[spmem:s2] =	stream.indirect.scatter.add.f32 [tilespmem:s14], [sflag:$0x7], $0x80, s30, s11, $0xb8;
	[tilespmem:$0x1E880] =	vst v63  }
0x1f0: {  	_ =	swait.ge [sflag:s17], $0x2800  }
0x1f1: {  	[sflag:s17] =	ssyncset.done $0x0  }
0x1f2: {  	[sflag:s17] =	ssyncadd.s32 $0xFFFFD800  }
0x1f3: {  	[spmem:s2] =	stream.indirect.scatter.add.f32 [tilespmem:s15], [sflag:$0x8], $0x80, s31, s11, $0xb8;
	[tilespmem:$0x1E880] =	vst v63  }
0x1f4: {  	_ =	swait.ge [sflag:s18], $0x2800  }
0x1f5: {  	[sflag:s18] =	ssyncset.done $0x0  }
0x1f6: {  	[sflag:s18] =	ssyncadd.s32 $0xFFFFD800  }
0x1f7: {  	[tilespmem:s12], [sflag:$0x1] =	stream.indirect.gather [hbm4b:s4+s11], $0x80, s1, s11, $0xb8;
	[tilespmem:$0x1E880] =	vst v63  }
0x1f8: {  	_ =	swait.ge [sflag:s9], $0x2800  }
0x1f9: {  	[sflag:s9] =	ssyncset.done $0x0  }
0x1fa: {  	s22 =	simm.s32 $0xF80;
	[sflag:s9] =	ssyncadd.s32 $0xFFFFD800  }
0x1fb: {  	[spmem:s2] =	stream.indirect.scatter.add.f32 [tilespmem:s12], [sflag:$0x5], $0x80, s22, s11, $0xb8;
	[tilespmem:$0x1E880] =	vst v63  }
0x1fc: {  	_ =	swait.ge [sflag:s18], $0x2800  }
0x1fd: {  	[sflag:s18] =	ssyncset.done $0x0  }
0x1fe: {  	[sflag:s18] =	ssyncadd.s32 $0xFFFFD800  }
0x1ff: {  	_ =	swait.ge [sflag:s19], $0x2800  }
0x200: {  	[sflag:s19] =	ssyncset.done $0x0  }
0x201: {  	p0 =	sne.s32 s7, $0x3E8;
	[sflag:s19] =	ssyncadd.s32 $0xFFFFD800  }
.Ltmp1:
0x202: {  	_ =	swait.ge [sflag:s20], $0x2800;
	(pc) =	sbr.rel @p0 .LBB2_4-.Ltmp1, $4  }
0x203: {  	[sflag:s20] =	ssyncset.done $0x0  }
0x204: {  	[sflag:s20] =	ssyncadd.s32 $0xFFFFD800  }
0x205: {  	_ =	swait.ge [sflag:s21], $0x2800  }
0x206: {  	s7 =	sadd.s32 $0xFA, s7;
	s22 =	rddreg [dreg:$0x5];
	[sflag:s21] =	ssyncset.done $0x0  }
0x207: {  	s7 =	rddreg [dreg:$0x4];
	[sflag:s21] =	ssyncadd.s32 $0xFFFFD800;
	s22 =	sadd.s32 s6, s22  }
0x208: {  	[tilespmem:s3], [sflag:$0x1] =	stream.linear.gather [hbm4b:s22+s3], $0x7D0, $0x38;
	[tilespmem:$0x1E880] =	vst v63  }
0x209: {  	s22 =	sadd.s32 s6, s7  }
0x20a: {  	[tilespmem:s8], [sflag:$0x2] =	stream.linear.gather [hbm4b:s22+s3], $0x7D0, $0x38;
	[tilespmem:$0x1E880] =	vst v63  }
0x20b: {  	_ =	swait.ge [sflag:s9], $0x7D0  }
0x20c: {  	[sflag:s9] =	ssyncset.done $0x0  }
0x20d: {  	[sflag:s9] =	ssyncadd.s32 $0xFFFFF830  }
0x20e: {  	_ =	swait.ge [sflag:s10], $0x7D0  }
0x20f: {  	[sflag:s10] =	ssyncset.done $0x0  }
0x210: {  	[sflag:s10] =	ssyncadd.s32 $0xFFFFF830  }
0x211: {  	[tilespmem:s12], [sflag:$0x1] =	stream.indirect.gather [hbm4b:s4+s11], $0x80, s3, s11, $0xb8;
	[tilespmem:$0x1E880] =	vst v63  }
0x212: {  	_ = 	snop  }
0x213: {  	[tilespmem:s13], [sflag:$0x2] =	stream.indirect.gather [hbm4b:s4+s11], $0x80, s11, s11, $0xb8;
	[tilespmem:$0x1E880] =	vst v63  }
0x214: {  	s7 =	rddreg [dreg:$0x6]  }
0x215: {  	[tilespmem:s14], [sflag:$0x3] =	stream.indirect.gather [hbm4b:s4+s11], $0x80, s7, s11, $0xb8;
	[tilespmem:$0x1E880] =	vst v63  }
0x216: {  	s22 =	rddreg [dreg:$0x7]  }
0x217: {  	[tilespmem:s15], [sflag:$0x4] =	stream.indirect.gather [hbm4b:s4+s11], $0x80, s22, s11, $0xb8;
	[tilespmem:$0x1E880] =	vst v63  }
0x218: {  	_ =	swait.ge [sflag:s9], $0x2800  }
0x219: {  	[sflag:s9] =	ssyncset.done $0x0  }
0x21a: {  	[sflag:s9] =	ssyncadd.s32 $0xFFFFD800  }
0x21b: {  	[spmem:s2] =	stream.indirect.scatter.add.f32 [tilespmem:s12], [sflag:$0x5], $0x80, s8, s11, $0xb8;
	[tilespmem:$0x1E880] =	vst v63  }
0x21c: {  	_ =	swait.ge [sflag:s10], $0x2800  }
0x21d: {  	[sflag:s10] =	ssyncset.done $0x0  }
0x21e: {  	s22 =	rddreg [dreg:$0x8];
	[sflag:s10] =	ssyncadd.s32 $0xFFFFD800  }
0x21f: {  	[spmem:s2] =	stream.indirect.scatter.add.f32 [tilespmem:s13], [sflag:$0x6], $0x80, s22, s11, $0xb8;
	[tilespmem:$0x1E880] =	vst v63  }
0x220: {  	_ =	swait.ge [sflag:s16], $0x2800  }
0x221: {  	[sflag:s16] =	ssyncset.done $0x0  }
0x222: {  	s7 =	rddreg [dreg:$0x9];
	[sflag:s16] =	ssyncadd.s32 $0xFFFFD800  }
0x223: {  	[spmem:s2] =	stream.indirect.scatter.add.f32 [tilespmem:s14], [sflag:$0x7], $0x80, s7, s11, $0xb8;
	[tilespmem:$0x1E880] =	vst v63  }
0x224: {  	_ =	swait.ge [sflag:s17], $0x2800  }
0x225: {  	[sflag:s17] =	ssyncset.done $0x0  }
0x226: {  	s22 =	rddreg [dreg:$0xa];
	[sflag:s17] =	ssyncadd.s32 $0xFFFFD800  }
0x227: {  	[spmem:s2] =	stream.indirect.scatter.add.f32 [tilespmem:s15], [sflag:$0x8], $0x80, s22, s11, $0xb8;
	[tilespmem:$0x1E880] =	vst v63  }
0x228: {  	_ =	swait.ge [sflag:s18], $0x2800  }
0x229: {  	[sflag:s18] =	ssyncset.done $0x0  }
0x22a: {  	s7 =	rddreg [dreg:$0xb];
	[sflag:s18] =	ssyncadd.s32 $0xFFFFD800  }
0x22b: {  	[tilespmem:s12], [sflag:$0x1] =	stream.indirect.gather [hbm4b:s4+s11], $0x80, s7, s11, $0xb8;
	[tilespmem:$0x1E880] =	vst v63  }
0x22c: {  	_ =	swait.ge [sflag:s19], $0x2800  }
0x22d: {  	[sflag:s19] =	ssyncset.done $0x0  }
0x22e: {  	s22 =	rddreg [dreg:$0xc];
	[sflag:s19] =	ssyncadd.s32 $0xFFFFD800  }
0x22f: {  	[tilespmem:s13], [sflag:$0x2] =	stream.indirect.gather [hbm4b:s4+s11], $0x80, s22, s11, $0xb8;
	[tilespmem:$0x1E880] =	vst v63  }
0x230: {  	_ =	swait.ge [sflag:s20], $0x2800  }
0x231: {  	[sflag:s20] =	ssyncset.done $0x0  }
0x232: {  	s7 =	rddreg [dreg:$0xd];
	[sflag:s20] =	ssyncadd.s32 $0xFFFFD800  }
0x233: {  	[tilespmem:s14], [sflag:$0x3] =	stream.indirect.gather [hbm4b:s4+s11], $0x80, s7, s11, $0xb8;
	[tilespmem:$0x1E880] =	vst v63  }
0x234: {  	_ =	swait.ge [sflag:s21], $0x2800  }
0x235: {  	[sflag:s21] =	ssyncset.done $0x0  }
0x236: {  	s22 =	rddreg [dreg:$0xe];
	[sflag:s21] =	ssyncadd.s32 $0xFFFFD800  }
0x237: {  	[tilespmem:s15], [sflag:$0x4] =	stream.indirect.gather [hbm4b:s4+s11], $0x80, s22, s11, $0xb8;
	[tilespmem:$0x1E880] =	vst v63  }
0x238: {  	_ =	swait.ge [sflag:s9], $0x2800  }
0x239: {  	[sflag:s9] =	ssyncset.done $0x0  }
0x23a: {  	s7 =	rddreg [dreg:$0xf];
	[sflag:s9] =	ssyncadd.s32 $0xFFFFD800  }
0x23b: {  	[spmem:s2] =	stream.indirect.scatter.add.f32 [tilespmem:s12], [sflag:$0x5], $0x80, s7, s11, $0xb8;
	[tilespmem:$0x1E880] =	vst v63  }
0x23c: {  	_ =	swait.ge [sflag:s10], $0x2800  }
0x23d: {  	[sflag:s10] =	ssyncset.done $0x0  }
0x23e: {  	s22 =	rddreg [dreg:$0x10];
	[sflag:s10] =	ssyncadd.s32 $0xFFFFD800  }
0x23f: {  	[spmem:s2] =	stream.indirect.scatter.add.f32 [tilespmem:s13], [sflag:$0x6], $0x80, s22, s11, $0xb8;
	[tilespmem:$0x1E880] =	vst v63  }
0x240: {  	_ =	swait.ge [sflag:s16], $0x2800  }
0x241: {  	[sflag:s16] =	ssyncset.done $0x0  }
0x242: {  	s7 =	rddreg [dreg:$0x11];
	[sflag:s16] =	ssyncadd.s32 $0xFFFFD800  }
0x243: {  	[spmem:s2] =	stream.indirect.scatter.add.f32 [tilespmem:s14], [sflag:$0x7], $0x80, s7, s11, $0xb8;
	[tilespmem:$0x1E880] =	vst v63  }
0x244: {  	_ =	swait.ge [sflag:s17], $0x2800  }
0x245: {  	[sflag:s17] =	ssyncset.done $0x0  }
0x246: {  	s22 =	rddreg [dreg:$0x12];
	[sflag:s17] =	ssyncadd.s32 $0xFFFFD800  }
0x247: {  	[spmem:s2] =	stream.indirect.scatter.add.f32 [tilespmem:s15], [sflag:$0x8], $0x80, s22, s11, $0xb8;
	[tilespmem:$0x1E880] =	vst v63  }
0x248: {  	_ =	swait.ge [sflag:s18], $0x2800  }
0x249: {  	[sflag:s18] =	ssyncset.done $0x0  }
0x24a: {  	s7 =	rddreg [dreg:$0x13];
	[sflag:s18] =	ssyncadd.s32 $0xFFFFD800  }
0x24b: {  	[tilespmem:s12], [sflag:$0x1] =	stream.indirect.gather [hbm4b:s4+s11], $0x80, s7, s11, $0xb8;
	[tilespmem:$0x1E880] =	vst v63  }
0x24c: {  	_ =	swait.ge [sflag:s19], $0x2800  }
0x24d: {  	[sflag:s19] =	ssyncset.done $0x0  }
0x24e: {  	s22 =	rddreg [dreg:$0x14];
	[sflag:s19] =	ssyncadd.s32 $0xFFFFD800  }
0x24f: {  	[tilespmem:s13], [sflag:$0x2] =	stream.indirect.gather [hbm4b:s4+s11], $0x80, s22, s11, $0xb8;
	[tilespmem:$0x1E880] =	vst v63  }
0x250: {  	_ =	swait.ge [sflag:s20], $0x2800  }
0x251: {  	[sflag:s20] =	ssyncset.done $0x0  }
0x252: {  	s7 =	rddreg [dreg:$0x15];
	[sflag:s20] =	ssyncadd.s32 $0xFFFFD800  }
0x253: {  	[tilespmem:s14], [sflag:$0x3] =	stream.indirect.gather [hbm4b:s4+s11], $0x80, s7, s11, $0xb8;
	[tilespmem:$0x1E880] =	vst v63  }
0x254: {  	_ =	swait.ge [sflag:s21], $0x2800  }
0x255: {  	[sflag:s21] =	ssyncset.done $0x0  }
0x256: {  	s22 =	rddreg [dreg:$0x16];
	[sflag:s21] =	ssyncadd.s32 $0xFFFFD800  }
0x257: {  	[tilespmem:s15], [sflag:$0x4] =	stream.indirect.gather [hbm4b:s4+s11], $0x80, s22, s11, $0xb8;
	[tilespmem:$0x1E880] =	vst v63  }
0x258: {  	_ =	swait.ge [sflag:s9], $0x2800  }
0x259: {  	[sflag:s9] =	ssyncset.done $0x0  }
0x25a: {  	s7 =	rddreg [dreg:$0x17];
	[sflag:s9] =	ssyncadd.s32 $0xFFFFD800  }
0x25b: {  	[spmem:s2] =	stream.indirect.scatter.add.f32 [tilespmem:s12], [sflag:$0x5], $0x80, s7, s11, $0xb8;
	[tilespmem:$0x1E880] =	vst v63  }
0x25c: {  	_ =	swait.ge [sflag:s10], $0x2800  }
0x25d: {  	[sflag:s10] =	ssyncset.done $0x0  }
0x25e: {  	s22 =	rddreg [dreg:$0x18];
	[sflag:s10] =	ssyncadd.s32 $0xFFFFD800  }
0x25f: {  	[spmem:s2] =	stream.indirect.scatter.add.f32 [tilespmem:s13], [sflag:$0x6], $0x80, s22, s11, $0xb8;
	[tilespmem:$0x1E880] =	vst v63  }
0x260: {  	_ =	swait.ge [sflag:s16], $0x2800  }
0x261: {  	[sflag:s16] =	ssyncset.done $0x0  }
0x262: {  	s7 =	rddreg [dreg:$0x19];
	[sflag:s16] =	ssyncadd.s32 $0xFFFFD800  }
0x263: {  	[spmem:s2] =	stream.indirect.scatter.add.f32 [tilespmem:s14], [sflag:$0x7], $0x80, s7, s11, $0xb8;
	[tilespmem:$0x1E880] =	vst v63  }
0x264: {  	_ =	swait.ge [sflag:s17], $0x2800  }
0x265: {  	[sflag:s17] =	ssyncset.done $0x0  }
0x266: {  	s22 =	rddreg [dreg:$0x1a];
	[sflag:s17] =	ssyncadd.s32 $0xFFFFD800  }
0x267: {  	[spmem:s2] =	stream.indirect.scatter.add.f32 [tilespmem:s15], [sflag:$0x8], $0x80, s22, s11, $0xb8;
	[tilespmem:$0x1E880] =	vst v63  }
0x268: {  	_ =	swait.ge [sflag:s18], $0x2800  }
0x269: {  	[sflag:s18] =	ssyncset.done $0x0  }
0x26a: {  	s7 =	rddreg [dreg:$0x1b];
	[sflag:s18] =	ssyncadd.s32 $0xFFFFD800  }
0x26b: {  	[tilespmem:s12], [sflag:$0x1] =	stream.indirect.gather [hbm4b:s4+s11], $0x80, s7, s11, $0xb8;
	[tilespmem:$0x1E880] =	vst v63  }
0x26c: {  	_ =	swait.ge [sflag:s19], $0x2800  }
0x26d: {  	[sflag:s19] =	ssyncset.done $0x0  }
0x26e: {  	s22 =	rddreg [dreg:$0x1c];
	[sflag:s19] =	ssyncadd.s32 $0xFFFFD800  }
0x26f: {  	[tilespmem:s13], [sflag:$0x2] =	stream.indirect.gather [hbm4b:s4+s11], $0x80, s22, s11, $0xb8;
	[tilespmem:$0x1E880] =	vst v63  }
0x270: {  	_ =	swait.ge [sflag:s20], $0x2800  }
0x271: {  	[sflag:s20] =	ssyncset.done $0x0  }
0x272: {  	s7 =	rddreg [dreg:$0x1d];
	[sflag:s20] =	ssyncadd.s32 $0xFFFFD800  }
0x273: {  	[tilespmem:s14], [sflag:$0x3] =	stream.indirect.gather [hbm4b:s4+s11], $0x80, s7, s11, $0xb8;
	[tilespmem:$0x1E880] =	vst v63  }
0x274: {  	_ =	swait.ge [sflag:s21], $0x2800  }
0x275: {  	[sflag:s21] =	ssyncset.done $0x0  }
0x276: {  	s22 =	rddreg [dreg:$0x1e];
	[sflag:s21] =	ssyncadd.s32 $0xFFFFD800  }
0x277: {  	[tilespmem:s15], [sflag:$0x4] =	stream.indirect.gather [hbm4b:s4+s11], $0x80, s22, s11, $0xb8;
	[tilespmem:$0x1E880] =	vst v63  }
0x278: {  	_ =	swait.ge [sflag:s9], $0x2800  }
0x279: {  	[sflag:s9] =	ssyncset.done $0x0  }
0x27a: {  	s7 =	rddreg [dreg:$0x1f];
	[sflag:s9] =	ssyncadd.s32 $0xFFFFD800  }
0x27b: {  	[spmem:s2] =	stream.indirect.scatter.add.f32 [tilespmem:s12], [sflag:$0x5], $0x80, s7, s11, $0xb8;
	[tilespmem:$0x1E880] =	vst v63  }
0x27c: {  	_ =	swait.ge [sflag:s10], $0x2800  }
0x27d: {  	s22 =	sld [smem:$0x7F3]  }
0x27e: {  	[sflag:s10] =	ssyncset.done $0x0  }
0x27f: {  	[sflag:s10] =	ssyncadd.s32 $0xFFFFD800  }
0x280: {  	[spmem:s2] =	stream.indirect.scatter.add.f32 [tilespmem:s13], [sflag:$0x6], $0x80, s22, s11, $0xb8;
	[tilespmem:$0x1E880] =	vst v63  }
0x281: {  	_ =	swait.ge [sflag:s16], $0x2800  }
0x282: {  	s7 =	sld [smem:$0x7F4]  }
0x283: {  	[sflag:s16] =	ssyncset.done $0x0  }
0x284: {  	[sflag:s16] =	ssyncadd.s32 $0xFFFFD800  }
0x285: {  	[spmem:s2] =	stream.indirect.scatter.add.f32 [tilespmem:s14], [sflag:$0x7], $0x80, s7, s11, $0xb8;
	[tilespmem:$0x1E880] =	vst v63  }
0x286: {  	_ =	swait.ge [sflag:s17], $0x2800  }
0x287: {  	s22 =	sld [smem:$0x7F5]  }
0x288: {  	[sflag:s17] =	ssyncset.done $0x0  }
0x289: {  	[sflag:s17] =	ssyncadd.s32 $0xFFFFD800  }
0x28a: {  	[spmem:s2] =	stream.indirect.scatter.add.f32 [tilespmem:s15], [sflag:$0x8], $0x80, s22, s11, $0xb8;
	[tilespmem:$0x1E880] =	vst v63  }
0x28b: {  	_ =	swait.ge [sflag:s18], $0x2800  }
0x28c: {  	s7 =	sld [smem:$0x7F6]  }
0x28d: {  	[sflag:s18] =	ssyncset.done $0x0  }
0x28e: {  	[sflag:s18] =	ssyncadd.s32 $0xFFFFD800  }
0x28f: {  	[tilespmem:s12], [sflag:$0x1] =	stream.indirect.gather [hbm4b:s4+s11], $0x80, s7, s11, $0xb8;
	[tilespmem:$0x1E880] =	vst v63  }
0x290: {  	_ =	swait.ge [sflag:s19], $0x2800  }
0x291: {  	s22 =	sld [smem:$0x7F7]  }
0x292: {  	[sflag:s19] =	ssyncset.done $0x0  }
0x293: {  	[sflag:s19] =	ssyncadd.s32 $0xFFFFD800  }
0x294: {  	[tilespmem:s13], [sflag:$0x2] =	stream.indirect.gather [hbm4b:s4+s11], $0x80, s22, s11, $0xb8;
	[tilespmem:$0x1E880] =	vst v63  }
0x295: {  	_ =	swait.ge [sflag:s20], $0x2800  }
0x296: {  	s7 =	sld [smem:$0x7F8]  }
0x297: {  	[sflag:s20] =	ssyncset.done $0x0  }
0x298: {  	[sflag:s20] =	ssyncadd.s32 $0xFFFFD800  }
0x299: {  	[tilespmem:s14], [sflag:$0x3] =	stream.indirect.gather [hbm4b:s4+s11], $0x80, s7, s11, $0xb8;
	[tilespmem:$0x1E880] =	vst v63  }
0x29a: {  	_ =	swait.ge [sflag:s21], $0x2800  }
0x29b: {  	s22 =	sld [smem:$0x7F9]  }
0x29c: {  	[sflag:s21] =	ssyncset.done $0x0  }
0x29d: {  	[sflag:s21] =	ssyncadd.s32 $0xFFFFD800  }
0x29e: {  	[tilespmem:s15], [sflag:$0x4] =	stream.indirect.gather [hbm4b:s4+s11], $0x80, s22, s11, $0xb8;
	[tilespmem:$0x1E880] =	vst v63  }
0x29f: {  	_ =	swait.ge [sflag:s9], $0x2800  }
0x2a0: {  	s7 =	sld [smem:$0x7FA]  }
0x2a1: {  	[sflag:s9] =	ssyncset.done $0x0  }
0x2a2: {  	[sflag:s9] =	ssyncadd.s32 $0xFFFFD800  }
0x2a3: {  	[spmem:s2] =	stream.indirect.scatter.add.f32 [tilespmem:s12], [sflag:$0x5], $0x80, s7, s11, $0xb8;
	[tilespmem:$0x1E880] =	vst v63  }
0x2a4: {  	_ =	swait.ge [sflag:s10], $0x2800  }
0x2a5: {  	s22 =	sld [smem:$0x7FB]  }
0x2a6: {  	[sflag:s10] =	ssyncset.done $0x0  }
0x2a7: {  	[sflag:s10] =	ssyncadd.s32 $0xFFFFD800  }
0x2a8: {  	[spmem:s2] =	stream.indirect.scatter.add.f32 [tilespmem:s13], [sflag:$0x6], $0x80, s22, s11, $0xb8;
	[tilespmem:$0x1E880] =	vst v63  }
0x2a9: {  	_ =	swait.ge [sflag:s16], $0x2800  }
0x2aa: {  	s7 =	sld [smem:$0x7FC]  }
0x2ab: {  	[sflag:s16] =	ssyncset.done $0x0  }
0x2ac: {  	[sflag:s16] =	ssyncadd.s32 $0xFFFFD800  }
0x2ad: {  	[spmem:s2] =	stream.indirect.scatter.add.f32 [tilespmem:s14], [sflag:$0x7], $0x80, s7, s11, $0xb8;
	[tilespmem:$0x1E880] =	vst v63  }
0x2ae: {  	_ =	swait.ge [sflag:s17], $0x2800  }
0x2af: {  	s22 =	sld [smem:$0x7FD]  }
0x2b0: {  	[sflag:s17] =	ssyncset.done $0x0  }
0x2b1: {  	[sflag:s17] =	ssyncadd.s32 $0xFFFFD800  }
0x2b2: {  	[spmem:s2] =	stream.indirect.scatter.add.f32 [tilespmem:s15], [sflag:$0x8], $0x80, s22, s11, $0xb8;
	[tilespmem:$0x1E880] =	vst v63  }
0x2b3: {  	_ =	swait.ge [sflag:s18], $0x2800  }
0x2b4: {  	[sflag:s18] =	ssyncset.done $0x0  }
0x2b5: {  	[sflag:s18] =	ssyncadd.s32 $0xFFFFD800  }
0x2b6: {  	[tilespmem:s12], [sflag:$0x1] =	stream.indirect.gather [hbm4b:s4+s11], $0x80, s26, s11, $0xb8;
	[tilespmem:$0x1E880] =	vst v63  }
0x2b7: {  	_ =	swait.ge [sflag:s19], $0x2800  }
0x2b8: {  	[sflag:s19] =	ssyncset.done $0x0  }
0x2b9: {  	[sflag:s19] =	ssyncadd.s32 $0xFFFFD800  }
0x2ba: {  	[tilespmem:s13], [sflag:$0x2] =	stream.indirect.gather [hbm4b:s4+s11], $0x80, s25, s11, $0xb8;
	[tilespmem:$0x1E880] =	vst v63  }
0x2bb: {  	_ =	swait.ge [sflag:s20], $0x2800  }
0x2bc: {  	[sflag:s20] =	ssyncset.done $0x0  }
0x2bd: {  	[sflag:s20] =	ssyncadd.s32 $0xFFFFD800  }
0x2be: {  	[tilespmem:s14], [sflag:$0x3] =	stream.indirect.gather [hbm4b:s4+s11], $0x80, s23, s11, $0xb8;
	[tilespmem:$0x1E880] =	vst v63  }
0x2bf: {  	_ =	swait.ge [sflag:s21], $0x2800  }
0x2c0: {  	[sflag:s21] =	ssyncset.done $0x0  }
0x2c1: {  	[sflag:s21] =	ssyncadd.s32 $0xFFFFD800  }
0x2c2: {  	[tilespmem:s15], [sflag:$0x4] =	stream.indirect.gather [hbm4b:s4+s11], $0x80, s24, s11, $0xb8;
	[tilespmem:$0x1E880] =	vst v63  }
0x2c3: {  	_ =	swait.ge [sflag:s9], $0x2800  }
0x2c4: {  	[sflag:s9] =	ssyncset.done $0x0  }
0x2c5: {  	[sflag:s9] =	ssyncadd.s32 $0xFFFFD800  }
0x2c6: {  	[spmem:s2] =	stream.indirect.scatter.add.f32 [tilespmem:s12], [sflag:$0x5], $0x80, s28, s11, $0xb8;
	[tilespmem:$0x1E880] =	vst v63  }
0x2c7: {  	_ =	swait.ge [sflag:s10], $0x2800  }
0x2c8: {  	[sflag:s10] =	ssyncset.done $0x0  }
0x2c9: {  	[sflag:s10] =	ssyncadd.s32 $0xFFFFD800  }
0x2ca: {  	[spmem:s2] =	stream.indirect.scatter.add.f32 [tilespmem:s13], [sflag:$0x6], $0x80, s29, s11, $0xb8;
	[tilespmem:$0x1E880] =	vst v63  }
0x2cb: {  	_ =	swait.ge [sflag:s16], $0x2800  }
0x2cc: {  	[sflag:s16] =	ssyncset.done $0x0  }
0x2cd: {  	[sflag:s16] =	ssyncadd.s32 $0xFFFFD800  }
0x2ce: {  	[spmem:s2] =	stream.indirect.scatter.add.f32 [tilespmem:s14], [sflag:$0x7], $0x80, s30, s11, $0xb8;
	[tilespmem:$0x1E880] =	vst v63  }
0x2cf: {  	_ =	swait.ge [sflag:s17], $0x2800  }
0x2d0: {  	[sflag:s17] =	ssyncset.done $0x0  }
0x2d1: {  	[sflag:s17] =	ssyncadd.s32 $0xFFFFD800  }
0x2d2: {  	[spmem:s2] =	stream.indirect.scatter.add.f32 [tilespmem:s15], [sflag:$0x8], $0x80, s31, s11, $0xb8;
	[tilespmem:$0x1E880] =	vst v63  }
0x2d3: {  	_ =	swait.ge [sflag:s18], $0x2800  }
0x2d4: {  	[sflag:s18] =	ssyncset.done $0x0  }
0x2d5: {  	[sflag:s18] =	ssyncadd.s32 $0xFFFFD800  }
0x2d6: {  	[tilespmem:s12], [sflag:$0x1] =	stream.indirect.gather [hbm4b:s4+s11], $0x80, s1, s11, $0xb8;
	[tilespmem:$0x1E880] =	vst v63  }
0x2d7: {  	_ =	swait.ge [sflag:s9], $0x2800  }
0x2d8: {  	[sflag:s9] =	ssyncset.done $0x0  }
0x2d9: {  	s24 =	simm.s32 $0xF80;
	[sflag:s9] =	ssyncadd.s32 $0xFFFFD800  }
0x2da: {  	[spmem:s2] =	stream.indirect.scatter.add.f32 [tilespmem:s12], [sflag:$0x5], $0x80, s24, s11, $0xb8;
	[tilespmem:$0x1E880] =	vst v63  }
0x2db: {  	_ =	swait.ge [sflag:s18], $0x2800  }
0x2dc: {  	[sflag:s18] =	ssyncset.done $0x0  }
0x2dd: {  	[sflag:s18] =	ssyncadd.s32 $0xFFFFD800  }
0x2de: {  	_ =	swait.ge [sflag:s19], $0x2800  }
0x2df: {  	[sflag:s19] =	ssyncset.done $0x0  }
0x2e0: {  	[sflag:s19] =	ssyncadd.s32 $0xFFFFD800  }
0x2e1: {  	_ =	swait.ge [sflag:s20], $0x2800  }
0x2e2: {  	[sflag:s20] =	ssyncset.done $0x0  }
0x2e3: {  	[sflag:s20] =	ssyncadd.s32 $0xFFFFD800  }
0x2e4: {  	_ =	swait.ge [sflag:s21], $0x2800  }
0x2e5: {  	[sflag:s21] =	ssyncset.done $0x0  }
0x2e6: {  	s25 =	simm.s32 $0x0;
	[sflag:s21] =	ssyncadd.s32 $0xFFFFD800  }
0x2e7: {  	s6 =	sand.u32 $0xF, s25;
	[bflag:$0x0] =	sbarrier.arrive $0xFFFF  }
0x2e8: {  	p0 =	sne.s32 s6, s0;
	s24 =	sld [smem:$0x7F1]  }
0x2e9: {  	s22 =	sadd.s32 $0x6400, s2;
	s6 =	sshll.u32 @!p0 s0, $0x6  }
0x2ea: {  	s7 =	sshrl.u32 @!p0 s2, $0x3;
	s6 =	sor.u32 @!p0 $0x1C09, s6;
	s23 =	simm.s32 @!p0 $0x9  }
0x2eb: {  	[hbm:s24], [sflag:s6] =	dma.local @!p0 [spmem:s7], $0xC80  }
0x2ec: {  	s26 =	simm.s32 $0x1;
	s7 =	simm.s32 $0x2;
	_ =	swait.ge @!p0 [sflag:s23], $0xC80  }
0x2ed: {  	s6 =	sadd.s32 $0xC80, s24;
	s24 =	sand.u32 $0xF, s26;
	[sflag:s23] =	ssyncset.done @!p0 $0x0  }
.LBB2_6:
0x2ee: {  	[sflag:s23] =	ssyncadd.s32 @!p0 $0xFFFFF380  }
0x2ef: {  	p0 =	sne.s32 s24, s0;
	s24 =	smov.u32 s7;
	s7 =	sadd.s32 $0x1, s7  }
0x2f0: {  	p1 =	sne.s32 s7, $0x32  }
.Ltmp2:
0x2f1: {  	s23 =	sshll.u32 @!p0 s0, $0x6;
	s25 =	sshrl.u32 @!p0 s22, $0x3;
	(pc) =	sbr.rel @p1 .LBB2_6-.Ltmp2, $4  }
0x2f2: {  	s26 =	sor.u32 @!p0 $0x1C09, s23;
	s23 =	simm.s32 @!p0 $0x9  }
0x2f3: {  	[hbm:s6], [sflag:s26] =	dma.local @!p0 [spmem:s25], $0xC80  }
0x2f4: {  	s6 =	sadd.s32 $0xC80, s6;
	_ =	swait.ge @!p0 [sflag:s23], $0xC80  }
0x2f5: {  	s24 =	sand.u32 $0xF, s24;
	s22 =	sadd.s32 $0x6400, s22;
	[sflag:s23] =	ssyncset.done @!p0 $0x0  }
0x2f6: {  	p1 =	sne.s32 s24, s0  }
0x2f7: {  	[sflag:s23] =	ssyncadd.s32 @!p0 $0xFFFFF380;
	s7 =	sshll.u32 @!p1 s0, $0x6  }
0x2f8: {  	s22 =	sshrl.u32 @!p1 s22, $0x3;
	s23 =	simm.s32 @!p1 $0x9;
	s7 =	sor.u32 @!p1 $0x1C09, s7  }
0x2f9: {  	[hbm:s6], [sflag:s7] =	dma.local @!p1 [spmem:s22], $0xC80  }
0x2fa: {  	_ =	swait.ge @!p1 [sflag:s23], $0xC80  }
0x2fb: {  	s1 =	sld [smem:$0x7F0]  }
0x2fc: {  	s26 =	sld [smem:$0x7F2];
	_ =	sdelay $0x1  }
0x2fd: {  	s1 =	sadd.s32 $0x1, s1  }
0x2fe: {  	p0 =	sne.s32 s1, s26  }
.Ltmp3:
0x2ff: {  	_ = 	snop;
	(pc) =	sbr.rel @p0 .LBB2_1-.Ltmp3, $3  }
0x300: {  	_ =	sdelay $0x1  }
0x301: {  	[sflag:s23] =	ssyncset.done @!p1 $0x0  }
0x302: {  	[sflag:s23] =	ssyncadd.s32 @!p1 $0xFFFFF380;
	s26 =	simm.s32 $0x640  }
0x303: {  	_ =	sfence.sel $0x180000  }
0x304: {  	[bflag:$0x0] =	sbarrier.arrive $0xFFFF  }
0x305: {  	_ =	strace $0x90000047  }
0x306: {  	[bflag:$0x2] =	sbarrier.arrive $0xFFFF  }
0x307: {  	p0 =	sne.s32 s0, $0x0;
	s0 =	rddreg [dreg:$0x3]  }
0x308: {  	s0 =	sadd.s32 @!p0 $0x100000, s0  }
0x309: {  	[sflag:s0] =	ssyncadd.tile.s32 @!p0 $0x1;
	_ =	shalt  }
.Lfunc_end2:
_tile_overlayer_lowered:
.L_overlay_start_2:
0x30a: {  	(tag) =	ssettag $0x2  }
0x30b: {  	s0 =	rddreg [dreg:$0x0];
	s2 =	stileid.u32  }
0x30c: {  	s1 =	rddreg [dreg:$0x1];
	p0 =	sne.s32 s2, $0x0  }
0x30d: {  	s3 =	rddreg [dreg:$0x2];
	[bflag:$0x3] =	sbarrier.arrive $0xFFFF;
	s2 =	simm.s32 @!p0 $0x1C09  }
0x30e: {  	[timem:s3], [sflag:s2] =	dma.local @!p0 [hbm:s0], s1  }
0x30f: {  	s0 =	simm.s32 @!p0 $0x9  }
0x310: {  	_ =	swait.ge @!p0 [sflag:s0], s1  }
0x311: {  	s1 =	ssub.s32 @!p0 $0x0, s1;
	[sflag:s0] =	ssyncset.done @!p0 $0x0  }
0x312: {  	[sflag:s0] =	ssyncadd.s32 @!p0 s1  }
0x313: {  	[bflag:$0x3] =	sbarrier.arrive $0xFFFF  }
0x314: {  	_ =	shalt  }

</sc_bundles>
